<compile_context>
chip_gen: v7x
topology: tpu7x:2x2x1
jax: 0.10.2.dev20260603
libtpu: 0.0.44.dev20260713+nightly
codegen_flags: <defaults>
</compile_context>

<pallas_src>
import functools

import jax
import jax.numpy as jnp
from jax import lax
from jax.experimental import pallas as pl
from jax.experimental.pallas import tpu as pltpu
from jax.experimental.pallas import tpu_sc as plsc

N_ROIS = 268
D_MODEL = 64
BATCH = 4096
ROWS = N_ROIS * D_MODEL
NW = 32
CHUNK = 8
NCHUNK = ROWS // CHUNK
CPW = NCHUNK // NW


def _chunk_dst(out_hbm, c):
    r = lax.div(c, D_MODEL // CHUNK)
    d0 = lax.rem(c, D_MODEL // CHUNK) * CHUNK
    return out_hbm.at[r, pl.ds(d0, CHUNK)]


def _sc_body(tab_hbm, out_hbm, tab_v, bufs, sems):
    wid = lax.axis_index("c") * 16 + lax.axis_index("s")
    pltpu.sync_copy(tab_hbm, tab_v.at[pl.ds(0, ROWS)])

    def chunk_body(t, carry):
        c = wid * CPW + t
        slot = lax.rem(t, 3)

        @pl.when(t >= 3)
        def _():
            pltpu.make_async_copy(
                bufs.at[slot], _chunk_dst(out_hbm, c - 3), sems.at[slot]
            ).wait()

        vec = tab_v[pl.ds(c * CHUNK, 16)]

        def fill(j, cc):
            for u in range(CHUNK):
                vsplat = jnp.full((16,), vec[u], jnp.float32)
                for jj in range(16):
                    bufs[slot, u, pl.ds(j * 256 + jj * 16, 16)] = vsplat
            return cc

        lax.fori_loop(0, BATCH // 256, fill, 0)

        pltpu.make_async_copy(
            bufs.at[slot], _chunk_dst(out_hbm, c), sems.at[slot]
        ).start()
        return carry

    lax.fori_loop(0, CPW, chunk_body, 0)

    for tail in (CPW - 3, CPW - 2, CPW - 1):
        c = wid * CPW + tail
        pltpu.make_async_copy(
            bufs.at[tail % 3], _chunk_dst(out_hbm, c), sems.at[tail % 3]
        ).wait()


def kernel(batch_size, pos_embedding):
    mesh = plsc.VectorSubcoreMesh(core_axis_name="c", subcore_axis_name="s")
    run = functools.partial(
        pl.kernel,
        mesh=mesh,
        out_type=jax.ShapeDtypeStruct((N_ROIS, D_MODEL, BATCH), jnp.float32),
        scratch_types=[
            pltpu.VMEM((ROWS + 16,), jnp.float32),
            pltpu.VMEM((3, CHUNK, BATCH), jnp.float32),
            pltpu.SemaphoreType.DMA((3,)),
        ],
    )(_sc_body)
    out = run(pos_embedding.reshape(ROWS))
    return jnp.transpose(out, (2, 0, 1))

# --- scband reference (transcript-rebuilt; emitter-appended) ---
"""Pipeline reference for scband-brain-positional-encoding-81784767250583 (READ-ONLY COPY).

The authoritative reference and input builder live on the scoring server;
editing this copy changes nothing except your own understanding.
"""

import jax, jax.numpy as jnp
import numpy as np

N_ROIS = 268
D_MODEL = 64
BATCH_SIZE = 4096

def setup_inputs(seed: int = 0) -> dict:
    key = jax.random.key(seed)
    k1, _ = jax.random.split(key)
    pos_embedding = jax.random.normal(k1, (N_ROIS, D_MODEL), dtype=jnp.float32)
    return {"batch_size": BATCH_SIZE, "pos_embedding": pos_embedding}

def reference(batch_size, pos_embedding):
    # positions = arange(n_rois); embed lookup; unsqueeze(0).expand(batch, -1, -1)
    positions = jnp.arange(N_ROIS)
    emb = jnp.take(pos_embedding, positions, axis=0)  # [n_rois, d_model]
    out = jnp.broadcast_to(emb[None, :, :], (BATCH_SIZE, N_ROIS, D_MODEL))
    out = out + jnp.zeros((), dtype=out.dtype) * jnp.asarray(batch_size, dtype=out.dtype)
    return out

if __name__ == "__main__":
    import jax
    _d = setup_inputs()
    print(jax.jit(kernel)(*tuple(_d.values())))

</pallas_src>

<mosaic_0001>
#map = affine_map<(d0, d1) -> (0)>
#map1 = affine_map<(d0, d1) -> (0, 0, 0)>
module attributes {stable_mosaic.version = 14 : i64} {
  func.func @_sc_body(%arg0: i32, %arg1: i32, %arg2: memref<17152xf32, #tpu.memory_space<hbm>>, %arg3: memref<268x64x4096xf32, #tpu.memory_space<hbm>>, %arg4: memref<17168xf32, #tpu.memory_space<vmem>>, %arg5: memref<3x8x4096xf32, #tpu.memory_space<vmem>>, %arg6: memref<3x!tpu.dma_semaphore, #tpu.memory_space<semaphore_mem>>) attributes {dimension_semantics = [#tpu.dimension_semantics<core_parallel>, #tpu.dimension_semantics<subcore_parallel>], iteration_bounds = array<i64: 2, 16>, scalar_prefetch = 0 : i64, scratch_operands = 3 : i64, tpu.core_type = #tpu.core_type<sc_vector_subcore>, window_params = [{transform_indices = #map}, {transform_indices = #map1}]} {
    %mul3A = arith.constant 16 : i32
    %mul3A_0 = arith.muli %arg0, %mul3A : i32
    %add3A = arith.addi %mul3A_0, %arg1 : i32
    "tpu.region"() ({
      %run_scoped3A = tpu.sem_alloc : memref<!tpu.dma_semaphore, #tpu.memory_space<semaphore_mem>>
      %dma_start3A = arith.constant 0 : i32
      %dma_start3A_87 = tpu.memref_slice %arg4[%dma_start3A] : memref<17168xf32, #tpu.memory_space<vmem>> -> memref<17152xf32, #tpu.memory_space<vmem>>
      %dma_start3A_88 = arith.constant 0 : i32
      %dma_start3A_89 = tpu.memref_slice %arg4[%dma_start3A_88] : memref<17168xf32, #tpu.memory_space<vmem>> -> memref<17152xf32, #tpu.memory_space<vmem>>
      tpu.enqueue_dma source(%arg2 : memref<17152xf32, #tpu.memory_space<hbm>>) target(%dma_start3A_89 : memref<17152xf32, #tpu.memory_space<vmem>>) target_semaphore(%run_scoped3A : memref<!tpu.dma_semaphore, #tpu.memory_space<semaphore_mem>>)
      %dma_wait3A_90 = arith.constant 0 : i32
      %dma_wait3A_91 = tpu.memref_slice %arg4[%dma_wait3A_90] : memref<17168xf32, #tpu.memory_space<vmem>> -> memref<17152xf32, #tpu.memory_space<vmem>>
      %dma_wait3A_92 = arith.constant 0 : i32
      %dma_wait3A_93 = tpu.memref_slice %arg4[%dma_wait3A_92] : memref<17168xf32, #tpu.memory_space<vmem>> -> memref<17152xf32, #tpu.memory_space<vmem>>
      tpu.wait_dma2 semaphore(%run_scoped3A : memref<!tpu.dma_semaphore, #tpu.memory_space<semaphore_mem>>) src(%arg2 : memref<17152xf32, #tpu.memory_space<hbm>>) dst(%dma_wait3A_93 : memref<17152xf32, #tpu.memory_space<vmem>>)
      tpu.yield
    }) : () -> ()
    %scan3A = arith.constant 0 : i32
    %scan3A_1 = arith.constant 0 : i32
    %scan3A_2 = arith.constant 67 : i32
    %scan3A_3 = arith.addi %scan3A_1, %scan3A_2 : i32
    %scan3A_4 = arith.constant 1 : i32
    scf.for %scan3A_87 = %scan3A_1 to %scan3A_3 step %scan3A_4  : i32 {
      %mul3A_88 = arith.constant 67 : i32
      %mul3A_89 = arith.muli %add3A, %mul3A_88 : i32
      %add3A_90 = arith.addi %mul3A_89, %scan3A_87 : i32
      %rem3A_91 = arith.constant 3 : i32
      %rem3A_92 = arith.remsi %scan3A_87, %rem3A_91 : i32
      %ge3A = arith.constant 3 : i32
      %ge3A_93 = arith.cmpi sge, %scan3A_87, %ge3A : i32
      %convert_element_type3A = arith.extui %ge3A_93 : i1 to i32
      %cond3A = arith.constant 0 : i32
      %cond3A_94 = arith.cmpi ne, %convert_element_type3A, %cond3A : i32
      scf.if %cond3A_94 {
        %sub3A = arith.constant 3 : i32
        %sub3A_126 = arith.subi %add3A_90, %sub3A : i32
        %div3A_127 = arith.constant 8 : i32
        %div3A_128 = arith.divsi %sub3A_126, %div3A_127 : i32
        %rem3A_129 = arith.constant 8 : i32
        %rem3A_130 = arith.remsi %sub3A_126, %rem3A_129 : i32
        %mul3A_131 = arith.constant 8 : i32
        %mul3A_132 = arith.muli %rem3A_130, %mul3A_131 : i32
        %dma_wait3A_133 = arith.constant 0 : i32
        %dma_wait3A_134 = arith.constant 0 : i32
        %dma_wait3A_135 = tpu.memref_slice %arg5[%rem3A_92, %dma_wait3A_133, %dma_wait3A_134] : memref<3x8x4096xf32, #tpu.memory_space<vmem>> -> memref<1x8x4096xf32, #tpu.memory_space<vmem>>
        %dma_wait3A_136 = tpu.memref_squeeze %dma_wait3A_135 : memref<1x8x4096xf32, #tpu.memory_space<vmem>> -> memref<8x4096xf32, #tpu.memory_space<vmem>>
        %dma_wait3A_137 = arith.constant 0 : i32
        %dma_wait3A_138 = tpu.memref_slice %arg3[%div3A_128, %mul3A_132, %dma_wait3A_137] : memref<268x64x4096xf32, #tpu.memory_space<hbm>> -> memref<1x8x4096xf32, #tpu.memory_space<hbm>>
        %dma_wait3A_139 = tpu.memref_squeeze %dma_wait3A_138 : memref<1x8x4096xf32, #tpu.memory_space<hbm>> -> memref<8x4096xf32, #tpu.memory_space<hbm>>
        %dma_wait3A_140 = tpu.memref_slice %arg6[%rem3A_92] : memref<3x!tpu.dma_semaphore, #tpu.memory_space<semaphore_mem>> -> memref<1x!tpu.dma_semaphore, #tpu.memory_space<semaphore_mem>>
        %dma_wait3A_141 = tpu.memref_squeeze %dma_wait3A_140 : memref<1x!tpu.dma_semaphore, #tpu.memory_space<semaphore_mem>> -> memref<!tpu.dma_semaphore, #tpu.memory_space<semaphore_mem>>
        %dma_wait3A_142 = arith.constant 0 : i32
        %dma_wait3A_143 = tpu.memref_slice %arg3[%div3A_128, %mul3A_132, %dma_wait3A_142] : memref<268x64x4096xf32, #tpu.memory_space<hbm>> -> memref<1x8x4096xf32, #tpu.memory_space<hbm>>
        %dma_wait3A_144 = tpu.memref_squeeze %dma_wait3A_143 : memref<1x8x4096xf32, #tpu.memory_space<hbm>> -> memref<8x4096xf32, #tpu.memory_space<hbm>>
        %dma_wait3A_145 = arith.constant 0 : i32
        %dma_wait3A_146 = arith.constant 0 : i32
        %dma_wait3A_147 = tpu.memref_slice %arg5[%rem3A_92, %dma_wait3A_145, %dma_wait3A_146] : memref<3x8x4096xf32, #tpu.memory_space<vmem>> -> memref<1x8x4096xf32, #tpu.memory_space<vmem>>
        %dma_wait3A_148 = tpu.memref_squeeze %dma_wait3A_147 : memref<1x8x4096xf32, #tpu.memory_space<vmem>> -> memref<8x4096xf32, #tpu.memory_space<vmem>>
        tpu.wait_dma2 semaphore(%dma_wait3A_141 : memref<!tpu.dma_semaphore, #tpu.memory_space<semaphore_mem>>) src(%dma_wait3A_148 : memref<8x4096xf32, #tpu.memory_space<vmem>>) dst(%dma_wait3A_144 : memref<8x4096xf32, #tpu.memory_space<hbm>>)
      } else {
      }
      %mul3A_95 = arith.constant 8 : i32
      %mul3A_96 = arith.muli %add3A_90, %mul3A_95 : i32
      %get3A = arith.index_cast %mul3A_96 : i32 to index
      %get3A_97 = tpu.vector_load %arg4[%get3A] {strides = array<i32>} : memref<17168xf32, #tpu.memory_space<vmem>>, vector<16xf32>,
      %get3A_98 = vector.shape_cast %get3A_97 : vector<16xf32> to vector<16xf32>
      %scan3A_99 = arith.constant 0 : i32
      %scan3A_100 = arith.constant 0 : i32
      %scan3A_101 = arith.constant 16 : i32
      %scan3A_102 = arith.addi %scan3A_100, %scan3A_101 : i32
      %scan3A_103 = arith.constant 1 : i32
      scf.for %scan3A_126 = %scan3A_100 to %scan3A_102 step %scan3A_103  : i32 {
        %slice3A = vector.extract_strided_slice %get3A_98 {offsets = [0], sizes = [1], strides = [1]} : vector<16xf32> to vector<1xf32>
        %squeeze3A = vector.extract %slice3A[0] : f32 from vector<1xf32>
        %broadcast_in_dim3A = vector.broadcast %squeeze3A : f32 to vector<16xf32>
        %mul3A_127 = arith.constant 256 : i32
        %mul3A_128 = arith.muli %scan3A_126, %mul3A_127 : i32
        %add3A_129 = arith.constant 0 : i32
        %add3A_130 = arith.addi %mul3A_128, %add3A_129 : i32
        %swap3A = arith.constant 0 : i32
        %swap3A_131 = arith.index_cast %rem3A_92 : i32 to index
        %swap3A_132 = arith.index_cast %swap3A : i32 to index
        %swap3A_133 = arith.index_cast %add3A_130 : i32 to index
        %swap3A_134 = tpu.vector_load %arg5[%swap3A_131, %swap3A_132, %swap3A_133] {strides = array<i32>} : memref<3x8x4096xf32, #tpu.memory_space<vmem>>, vector<1x1x16xf32>,
        %swap3A_135 = vector.shape_cast %swap3A_134 : vector<1x1x16xf32> to vector<16xf32>
        %swap3A_136 = vector.shape_cast %broadcast_in_dim3A : vector<16xf32> to vector<1x1x16xf32>
        tpu.vector_store %arg5[%swap3A_131, %swap3A_132, %swap3A_133], %swap3A_136 {strides = array<i32>} : memref<3x8x4096xf32, #tpu.memory_space<vmem>>, vector<1x1x16xf32>,
        %mul3A_137 = arith.constant 256 : i32
        %mul3A_138 = arith.muli %scan3A_126, %mul3A_137 : i32
        %add3A_139 = arith.constant 16 : i32
        %add3A_140 = arith.addi %mul3A_138, %add3A_139 : i32
        %swap3A_141 = arith.constant 0 : i32
        %swap3A_142 = arith.index_cast %rem3A_92 : i32 to index
        %swap3A_143 = arith.index_cast %swap3A_141 : i32 to index
        %swap3A_144 = arith.index_cast %add3A_140 : i32 to index
        %swap3A_145 = tpu.vector_load %arg5[%swap3A_142, %swap3A_143, %swap3A_144] {strides = array<i32>} : memref<3x8x4096xf32, #tpu.memory_space<vmem>>, vector<1x1x16xf32>,
        %swap3A_146 = vector.shape_cast %swap3A_145 : vector<1x1x16xf32> to vector<16xf32>
        %swap3A_147 = vector.shape_cast %broadcast_in_dim3A : vector<16xf32> to vector<1x1x16xf32>
        tpu.vector_store %arg5[%swap3A_142, %swap3A_143, %swap3A_144], %swap3A_147 {strides = array<i32>} : memref<3x8x4096xf32, #tpu.memory_space<vmem>>, vector<1x1x16xf32>,
        %mul3A_148 = arith.constant 256 : i32
        %mul3A_149 = arith.muli %scan3A_126, %mul3A_148 : i32
        %add3A_150 = arith.constant 32 : i32
        %add3A_151 = arith.addi %mul3A_149, %add3A_150 : i32
        %swap3A_152 = arith.constant 0 : i32
        %swap3A_153 = arith.index_cast %rem3A_92 : i32 to index
        %swap3A_154 = arith.index_cast %swap3A_152 : i32 to index
        %swap3A_155 = arith.index_cast %add3A_151 : i32 to index
        %swap3A_156 = tpu.vector_load %arg5[%swap3A_153, %swap3A_154, %swap3A_155] {strides = array<i32>} : memref<3x8x4096xf32, #tpu.memory_space<vmem>>, vector<1x1x16xf32>,
        %swap3A_157 = vector.shape_cast %swap3A_156 : vector<1x1x16xf32> to vector<16xf32>
        %swap3A_158 = vector.shape_cast %broadcast_in_dim3A : vector<16xf32> to vector<1x1x16xf32>
        tpu.vector_store %arg5[%swap3A_153, %swap3A_154, %swap3A_155], %swap3A_158 {strides = array<i32>} : memref<3x8x4096xf32, #tpu.memory_space<vmem>>, vector<1x1x16xf32>,
        %mul3A_159 = arith.constant 256 : i32
        %mul3A_160 = arith.muli %scan3A_126, %mul3A_159 : i32
        %add3A_161 = arith.constant 48 : i32
        %add3A_162 = arith.addi %mul3A_160, %add3A_161 : i32
        %swap3A_163 = arith.constant 0 : i32
        %swap3A_164 = arith.index_cast %rem3A_92 : i32 to index
        %swap3A_165 = arith.index_cast %swap3A_163 : i32 to index
        %swap3A_166 = arith.index_cast %add3A_162 : i32 to index
        %swap3A_167 = tpu.vector_load %arg5[%swap3A_164, %swap3A_165, %swap3A_166] {strides = array<i32>} : memref<3x8x4096xf32, #tpu.memory_space<vmem>>, vector<1x1x16xf32>,
        %swap3A_168 = vector.shape_cast %swap3A_167 : vector<1x1x16xf32> to vector<16xf32>
        %swap3A_169 = vector.shape_cast %broadcast_in_dim3A : vector<16xf32> to vector<1x1x16xf32>
        tpu.vector_store %arg5[%swap3A_164, %swap3A_165, %swap3A_166], %swap3A_169 {strides = array<i32>} : memref<3x8x4096xf32, #tpu.memory_space<vmem>>, vector<1x1x16xf32>,
        %mul3A_170 = arith.constant 256 : i32
        %mul3A_171 = arith.muli %scan3A_126, %mul3A_170 : i32
        %add3A_172 = arith.constant 64 : i32
        %add3A_173 = arith.addi %mul3A_171, %add3A_172 : i32
        %swap3A_174 = arith.constant 0 : i32
        %swap3A_175 = arith.index_cast %rem3A_92 : i32 to index
        %swap3A_176 = arith.index_cast %swap3A_174 : i32 to index
        %swap3A_177 = arith.index_cast %add3A_173 : i32 to index
        %swap3A_178 = tpu.vector_load %arg5[%swap3A_175, %swap3A_176, %swap3A_177] {strides = array<i32>} : memref<3x8x4096xf32, #tpu.memory_space<vmem>>, vector<1x1x16xf32>,
        %swap3A_179 = vector.shape_cast %swap3A_178 : vector<1x1x16xf32> to vector<16xf32>
        %swap3A_180 = vector.shape_cast %broadcast_in_dim3A : vector<16xf32> to vector<1x1x16xf32>
        tpu.vector_store %arg5[%swap3A_175, %swap3A_176, %swap3A_177], %swap3A_180 {strides = array<i32>} : memref<3x8x4096xf32, #tpu.memory_space<vmem>>, vector<1x1x16xf32>,
        %mul3A_181 = arith.constant 256 : i32
        %mul3A_182 = arith.muli %scan3A_126, %mul3A_181 : i32
        %add3A_183 = arith.constant 80 : i32
        %add3A_184 = arith.addi %mul3A_182, %add3A_183 : i32
        %swap3A_185 = arith.constant 0 : i32
        %swap3A_186 = arith.index_cast %rem3A_92 : i32 to index
        %swap3A_187 = arith.index_cast %swap3A_185 : i32 to index
        %swap3A_188 = arith.index_cast %add3A_184 : i32 to index
        %swap3A_189 = tpu.vector_load %arg5[%swap3A_186, %swap3A_187, %swap3A_188] {strides = array<i32>} : memref<3x8x4096xf32, #tpu.memory_space<vmem>>, vector<1x1x16xf32>,
        %swap3A_190 = vector.shape_cast %swap3A_189 : vector<1x1x16xf32> to vector<16xf32>
        %swap3A_191 = vector.shape_cast %broadcast_in_dim3A : vector<16xf32> to vector<1x1x16xf32>
        tpu.vector_store %arg5[%swap3A_186, %swap3A_187, %swap3A_188], %swap3A_191 {strides = array<i32>} : memref<3x8x4096xf32, #tpu.memory_space<vmem>>, vector<1x1x16xf32>,
        %mul3A_192 = arith.constant 256 : i32
        %mul3A_193 = arith.muli %scan3A_126, %mul3A_192 : i32
        %add3A_194 = arith.constant 96 : i32
        %add3A_195 = arith.addi %mul3A_193, %add3A_194 : i32
        %swap3A_196 = arith.constant 0 : i32
        %swap3A_197 = arith.index_cast %rem3A_92 : i32 to index
        %swap3A_198 = arith.index_cast %swap3A_196 : i32 to index
        %swap3A_199 = arith.index_cast %add3A_195 : i32 to index
        %swap3A_200 = tpu.vector_load %arg5[%swap3A_197, %swap3A_198, %swap3A_199] {strides = array<i32>} : memref<3x8x4096xf32, #tpu.memory_space<vmem>>, vector<1x1x16xf32>,
        %swap3A_201 = vector.shape_cast %swap3A_200 : vector<1x1x16xf32> to vector<16xf32>
        %swap3A_202 = vector.shape_cast %broadcast_in_dim3A : vector<16xf32> to vector<1x1x16xf32>
        tpu.vector_store %arg5[%swap3A_197, %swap3A_198, %swap3A_199], %swap3A_202 {strides = array<i32>} : memref<3x8x4096xf32, #tpu.memory_space<vmem>>, vector<1x1x16xf32>,
        %mul3A_203 = arith.constant 256 : i32
        %mul3A_204 = arith.muli %scan3A_126, %mul3A_203 : i32
        %add3A_205 = arith.constant 112 : i32
        %add3A_206 = arith.addi %mul3A_204, %add3A_205 : i32
        %swap3A_207 = arith.constant 0 : i32
        %swap3A_208 = arith.index_cast %rem3A_92 : i32 to index
        %swap3A_209 = arith.index_cast %swap3A_207 : i32 to index
        %swap3A_210 = arith.index_cast %add3A_206 : i32 to index
        %swap3A_211 = tpu.vector_load %arg5[%swap3A_208, %swap3A_209, %swap3A_210] {strides = array<i32>} : memref<3x8x4096xf32, #tpu.memory_space<vmem>>, vector<1x1x16xf32>,
        %swap3A_212 = vector.shape_cast %swap3A_211 : vector<1x1x16xf32> to vector<16xf32>
        %swap3A_213 = vector.shape_cast %broadcast_in_dim3A : vector<16xf32> to vector<1x1x16xf32>
        tpu.vector_store %arg5[%swap3A_208, %swap3A_209, %swap3A_210], %swap3A_213 {strides = array<i32>} : memref<3x8x4096xf32, #tpu.memory_space<vmem>>, vector<1x1x16xf32>,
        %mul3A_214 = arith.constant 256 : i32
        %mul3A_215 = arith.muli %scan3A_126, %mul3A_214 : i32
        %add3A_216 = arith.constant 128 : i32
        %add3A_217 = arith.addi %mul3A_215, %add3A_216 : i32
        %swap3A_218 = arith.constant 0 : i32
        %swap3A_219 = arith.index_cast %rem3A_92 : i32 to index
        %swap3A_220 = arith.index_cast %swap3A_218 : i32 to index
        %swap3A_221 = arith.index_cast %add3A_217 : i32 to index
        %swap3A_222 = tpu.vector_load %arg5[%swap3A_219, %swap3A_220, %swap3A_221] {strides = array<i32>} : memref<3x8x4096xf32, #tpu.memory_space<vmem>>, vector<1x1x16xf32>,
        %swap3A_223 = vector.shape_cast %swap3A_222 : vector<1x1x16xf32> to vector<16xf32>
        %swap3A_224 = vector.shape_cast %broadcast_in_dim3A : vector<16xf32> to vector<1x1x16xf32>
        tpu.vector_store %arg5[%swap3A_219, %swap3A_220, %swap3A_221], %swap3A_224 {strides = array<i32>} : memref<3x8x4096xf32, #tpu.memory_space<vmem>>, vector<1x1x16xf32>,
        %mul3A_225 = arith.constant 256 : i32
        %mul3A_226 = arith.muli %scan3A_126, %mul3A_225 : i32
        %add3A_227 = arith.constant 144 : i32
        %add3A_228 = arith.addi %mul3A_226, %add3A_227 : i32
        %swap3A_229 = arith.constant 0 : i32
        %swap3A_230 = arith.index_cast %rem3A_92 : i32 to index
        %swap3A_231 = arith.index_cast %swap3A_229 : i32 to index
        %swap3A_232 = arith.index_cast %add3A_228 : i32 to index
        %swap3A_233 = tpu.vector_load %arg5[%swap3A_230, %swap3A_231, %swap3A_232] {strides = array<i32>} : memref<3x8x4096xf32, #tpu.memory_space<vmem>>, vector<1x1x16xf32>,
        %swap3A_234 = vector.shape_cast %swap3A_233 : vector<1x1x16xf32> to vector<16xf32>
        %swap3A_235 = vector.shape_cast %broadcast_in_dim3A : vector<16xf32> to vector<1x1x16xf32>
        tpu.vector_store %arg5[%swap3A_230, %swap3A_231, %swap3A_232], %swap3A_235 {strides = array<i32>} : memref<3x8x4096xf32, #tpu.memory_space<vmem>>, vector<1x1x16xf32>,
        %mul3A_236 = arith.constant 256 : i32
        %mul3A_237 = arith.muli %scan3A_126, %mul3A_236 : i32
        %add3A_238 = arith.constant 160 : i32
        %add3A_239 = arith.addi %mul3A_237, %add3A_238 : i32
        %swap3A_240 = arith.constant 0 : i32
        %swap3A_241 = arith.index_cast %rem3A_92 : i32 to index
        %swap3A_242 = arith.index_cast %swap3A_240 : i32 to index
        %swap3A_243 = arith.index_cast %add3A_239 : i32 to index
        %swap3A_244 = tpu.vector_load %arg5[%swap3A_241, %swap3A_242, %swap3A_243] {strides = array<i32>} : memref<3x8x4096xf32, #tpu.memory_space<vmem>>, vector<1x1x16xf32>,
        %swap3A_245 = vector.shape_cast %swap3A_244 : vector<1x1x16xf32> to vector<16xf32>
        %swap3A_246 = vector.shape_cast %broadcast_in_dim3A : vector<16xf32> to vector<1x1x16xf32>
        tpu.vector_store %arg5[%swap3A_241, %swap3A_242, %swap3A_243], %swap3A_246 {strides = array<i32>} : memref<3x8x4096xf32, #tpu.memory_space<vmem>>, vector<1x1x16xf32>,
        %mul3A_247 = arith.constant 256 : i32
        %mul3A_248 = arith.muli %scan3A_126, %mul3A_247 : i32
        %add3A_249 = arith.constant 176 : i32
        %add3A_250 = arith.addi %mul3A_248, %add3A_249 : i32
        %swap3A_251 = arith.constant 0 : i32
        %swap3A_252 = arith.index_cast %rem3A_92 : i32 to index
        %swap3A_253 = arith.index_cast %swap3A_251 : i32 to index
        %swap3A_254 = arith.index_cast %add3A_250 : i32 to index
        %swap3A_255 = tpu.vector_load %arg5[%swap3A_252, %swap3A_253, %swap3A_254] {strides = array<i32>} : memref<3x8x4096xf32, #tpu.memory_space<vmem>>, vector<1x1x16xf32>,
        %swap3A_256 = vector.shape_cast %swap3A_255 : vector<1x1x16xf32> to vector<16xf32>
        %swap3A_257 = vector.shape_cast %broadcast_in_dim3A : vector<16xf32> to vector<1x1x16xf32>
        tpu.vector_store %arg5[%swap3A_252, %swap3A_253, %swap3A_254], %swap3A_257 {strides = array<i32>} : memref<3x8x4096xf32, #tpu.memory_space<vmem>>, vector<1x1x16xf32>,
        %mul3A_258 = arith.constant 256 : i32
        %mul3A_259 = arith.muli %scan3A_126, %mul3A_258 : i32
        %add3A_260 = arith.constant 192 : i32
        %add3A_261 = arith.addi %mul3A_259, %add3A_260 : i32
        %swap3A_262 = arith.constant 0 : i32
        %swap3A_263 = arith.index_cast %rem3A_92 : i32 to index
        %swap3A_264 = arith.index_cast %swap3A_262 : i32 to index
        %swap3A_265 = arith.index_cast %add3A_261 : i32 to index
        %swap3A_266 = tpu.vector_load %arg5[%swap3A_263, %swap3A_264, %swap3A_265] {strides = array<i32>} : memref<3x8x4096xf32, #tpu.memory_space<vmem>>, vector<1x1x16xf32>,
        %swap3A_267 = vector.shape_cast %swap3A_266 : vector<1x1x16xf32> to vector<16xf32>
        %swap3A_268 = vector.shape_cast %broadcast_in_dim3A : vector<16xf32> to vector<1x1x16xf32>
        tpu.vector_store %arg5[%swap3A_263, %swap3A_264, %swap3A_265], %swap3A_268 {strides = array<i32>} : memref<3x8x4096xf32, #tpu.memory_space<vmem>>, vector<1x1x16xf32>,
        %mul3A_269 = arith.constant 256 : i32
        %mul3A_270 = arith.muli %scan3A_126, %mul3A_269 : i32
        %add3A_271 = arith.constant 208 : i32
        %add3A_272 = arith.addi %mul3A_270, %add3A_271 : i32
        %swap3A_273 = arith.constant 0 : i32
        %swap3A_274 = arith.index_cast %rem3A_92 : i32 to index
        %swap3A_275 = arith.index_cast %swap3A_273 : i32 to index
        %swap3A_276 = arith.index_cast %add3A_272 : i32 to index
        %swap3A_277 = tpu.vector_load %arg5[%swap3A_274, %swap3A_275, %swap3A_276] {strides = array<i32>} : memref<3x8x4096xf32, #tpu.memory_space<vmem>>, vector<1x1x16xf32>,
        %swap3A_278 = vector.shape_cast %swap3A_277 : vector<1x1x16xf32> to vector<16xf32>
        %swap3A_279 = vector.shape_cast %broadcast_in_dim3A : vector<16xf32> to vector<1x1x16xf32>
        tpu.vector_store %arg5[%swap3A_274, %swap3A_275, %swap3A_276], %swap3A_279 {strides = array<i32>} : memref<3x8x4096xf32, #tpu.memory_space<vmem>>, vector<1x1x16xf32>,
        %mul3A_280 = arith.constant 256 : i32
        %mul3A_281 = arith.muli %scan3A_126, %mul3A_280 : i32
        %add3A_282 = arith.constant 224 : i32
        %add3A_283 = arith.addi %mul3A_281, %add3A_282 : i32
        %swap3A_284 = arith.constant 0 : i32
        %swap3A_285 = arith.index_cast %rem3A_92 : i32 to index
        %swap3A_286 = arith.index_cast %swap3A_284 : i32 to index
        %swap3A_287 = arith.index_cast %add3A_283 : i32 to index
        %swap3A_288 = tpu.vector_load %arg5[%swap3A_285, %swap3A_286, %swap3A_287] {strides = array<i32>} : memref<3x8x4096xf32, #tpu.memory_space<vmem>>, vector<1x1x16xf32>,
        %swap3A_289 = vector.shape_cast %swap3A_288 : vector<1x1x16xf32> to vector<16xf32>
        %swap3A_290 = vector.shape_cast %broadcast_in_dim3A : vector<16xf32> to vector<1x1x16xf32>
        tpu.vector_store %arg5[%swap3A_285, %swap3A_286, %swap3A_287], %swap3A_290 {strides = array<i32>} : memref<3x8x4096xf32, #tpu.memory_space<vmem>>, vector<1x1x16xf32>,
        %mul3A_291 = arith.constant 256 : i32
        %mul3A_292 = arith.muli %scan3A_126, %mul3A_291 : i32
        %add3A_293 = arith.constant 240 : i32
        %add3A_294 = arith.addi %mul3A_292, %add3A_293 : i32
        %swap3A_295 = arith.constant 0 : i32
        %swap3A_296 = arith.index_cast %rem3A_92 : i32 to index
        %swap3A_297 = arith.index_cast %swap3A_295 : i32 to index
        %swap3A_298 = arith.index_cast %add3A_294 : i32 to index
        %swap3A_299 = tpu.vector_load %arg5[%swap3A_296, %swap3A_297, %swap3A_298] {strides = array<i32>} : memref<3x8x4096xf32, #tpu.memory_space<vmem>>, vector<1x1x16xf32>,
        %swap3A_300 = vector.shape_cast %swap3A_299 : vector<1x1x16xf32> to vector<16xf32>
        %swap3A_301 = vector.shape_cast %broadcast_in_dim3A : vector<16xf32> to vector<1x1x16xf32>
        tpu.vector_store %arg5[%swap3A_296, %swap3A_297, %swap3A_298], %swap3A_301 {strides = array<i32>} : memref<3x8x4096xf32, #tpu.memory_space<vmem>>, vector<1x1x16xf32>,
        %slice3A_302 = vector.extract_strided_slice %get3A_98 {offsets = [1], sizes = [1], strides = [1]} : vector<16xf32> to vector<1xf32>
        %squeeze3A_303 = vector.extract %slice3A_302[0] : f32 from vector<1xf32>
        %broadcast_in_dim3A_304 = vector.broadcast %squeeze3A_303 : f32 to vector<16xf32>
        %mul3A_305 = arith.constant 256 : i32
        %mul3A_306 = arith.muli %scan3A_126, %mul3A_305 : i32
        %add3A_307 = arith.constant 0 : i32
        %add3A_308 = arith.addi %mul3A_306, %add3A_307 : i32
        %swap3A_309 = arith.constant 1 : i32
        %swap3A_310 = arith.index_cast %rem3A_92 : i32 to index
        %swap3A_311 = arith.index_cast %swap3A_309 : i32 to index
        %swap3A_312 = arith.index_cast %add3A_308 : i32 to index
        %swap3A_313 = tpu.vector_load %arg5[%swap3A_310, %swap3A_311, %swap3A_312] {strides = array<i32>} : memref<3x8x4096xf32, #tpu.memory_space<vmem>>, vector<1x1x16xf32>,
        %swap3A_314 = vector.shape_cast %swap3A_313 : vector<1x1x16xf32> to vector<16xf32>
        %swap3A_315 = vector.shape_cast %broadcast_in_dim3A_304 : vector<16xf32> to vector<1x1x16xf32>
        tpu.vector_store %arg5[%swap3A_310, %swap3A_311, %swap3A_312], %swap3A_315 {strides = array<i32>} : memref<3x8x4096xf32, #tpu.memory_space<vmem>>, vector<1x1x16xf32>,
        %mul3A_316 = arith.constant 256 : i32
        %mul3A_317 = arith.muli %scan3A_126, %mul3A_316 : i32
        %add3A_318 = arith.constant 16 : i32
        %add3A_319 = arith.addi %mul3A_317, %add3A_318 : i32
        %swap3A_320 = arith.constant 1 : i32
        %swap3A_321 = arith.index_cast %rem3A_92 : i32 to index
        %swap3A_322 = arith.index_cast %swap3A_320 : i32 to index
        %swap3A_323 = arith.index_cast %add3A_319 : i32 to index
        %swap3A_324 = tpu.vector_load %arg5[%swap3A_321, %swap3A_322, %swap3A_323] {strides = array<i32>} : memref<3x8x4096xf32, #tpu.memory_space<vmem>>, vector<1x1x16xf32>,
        %swap3A_325 = vector.shape_cast %swap3A_324 : vector<1x1x16xf32> to vector<16xf32>
        %swap3A_326 = vector.shape_cast %broadcast_in_dim3A_304 : vector<16xf32> to vector<1x1x16xf32>
        tpu.vector_store %arg5[%swap3A_321, %swap3A_322, %swap3A_323], %swap3A_326 {strides = array<i32>} : memref<3x8x4096xf32, #tpu.memory_space<vmem>>, vector<1x1x16xf32>,
        %mul3A_327 = arith.constant 256 : i32
        %mul3A_328 = arith.muli %scan3A_126, %mul3A_327 : i32
        %add3A_329 = arith.constant 32 : i32
        %add3A_330 = arith.addi %mul3A_328, %add3A_329 : i32
        %swap3A_331 = arith.constant 1 : i32
        %swap3A_332 = arith.index_cast %rem3A_92 : i32 to index
        %swap3A_333 = arith.index_cast %swap3A_331 : i32 to index
        %swap3A_334 = arith.index_cast %add3A_330 : i32 to index
        %swap3A_335 = tpu.vector_load %arg5[%swap3A_332, %swap3A_333, %swap3A_334] {strides = array<i32>} : memref<3x8x4096xf32, #tpu.memory_space<vmem>>, vector<1x1x16xf32>,
        %swap3A_336 = vector.shape_cast %swap3A_335 : vector<1x1x16xf32> to vector<16xf32>
        %swap3A_337 = vector.shape_cast %broadcast_in_dim3A_304 : vector<16xf32> to vector<1x1x16xf32>
        tpu.vector_store %arg5[%swap3A_332, %swap3A_333, %swap3A_334], %swap3A_337 {strides = array<i32>} : memref<3x8x4096xf32, #tpu.memory_space<vmem>>, vector<1x1x16xf32>,
        %mul3A_338 = arith.constant 256 : i32
        %mul3A_339 = arith.muli %scan3A_126, %mul3A_338 : i32
        %add3A_340 = arith.constant 48 : i32
        %add3A_341 = arith.addi %mul3A_339, %add3A_340 : i32
        %swap3A_342 = arith.constant 1 : i32
        %swap3A_343 = arith.index_cast %rem3A_92 : i32 to index
        %swap3A_344 = arith.index_cast %swap3A_342 : i32 to index
        %swap3A_345 = arith.index_cast %add3A_341 : i32 to index
        %swap3A_346 = tpu.vector_load %arg5[%swap3A_343, %swap3A_344, %swap3A_345] {strides = array<i32>} : memref<3x8x4096xf32, #tpu.memory_space<vmem>>, vector<1x1x16xf32>,
        %swap3A_347 = vector.shape_cast %swap3A_346 : vector<1x1x16xf32> to vector<16xf32>
        %swap3A_348 = vector.shape_cast %broadcast_in_dim3A_304 : vector<16xf32> to vector<1x1x16xf32>
        tpu.vector_store %arg5[%swap3A_343, %swap3A_344, %swap3A_345], %swap3A_348 {strides = array<i32>} : memref<3x8x4096xf32, #tpu.memory_space<vmem>>, vector<1x1x16xf32>,
        %mul3A_349 = arith.constant 256 : i32
        %mul3A_350 = arith.muli %scan3A_126, %mul3A_349 : i32
        %add3A_351 = arith.constant 64 : i32
        %add3A_352 = arith.addi %mul3A_350, %add3A_351 : i32
        %swap3A_353 = arith.constant 1 : i32
        %swap3A_354 = arith.index_cast %rem3A_92 : i32 to index
        %swap3A_355 = arith.index_cast %swap3A_353 : i32 to index
        %swap3A_356 = arith.index_cast %add3A_352 : i32 to index
        %swap3A_357 = tpu.vector_load %arg5[%swap3A_354, %swap3A_355, %swap3A_356] {strides = array<i32>} : memref<3x8x4096xf32, #tpu.memory_space<vmem>>, vector<1x1x16xf32>,
        %swap3A_358 = vector.shape_cast %swap3A_357 : vector<1x1x16xf32> to vector<16xf32>
        %swap3A_359 = vector.shape_cast %broadcast_in_dim3A_304 : vector<16xf32> to vector<1x1x16xf32>
        tpu.vector_store %arg5[%swap3A_354, %swap3A_355, %swap3A_356], %swap3A_359 {strides = array<i32>} : memref<3x8x4096xf32, #tpu.memory_space<vmem>>, vector<1x1x16xf32>,
        %mul3A_360 = arith.constant 256 : i32
        %mul3A_361 = arith.muli %scan3A_126, %mul3A_360 : i32
        %add3A_362 = arith.constant 80 : i32
        %add3A_363 = arith.addi %mul3A_361, %add3A_362 : i32
        %swap3A_364 = arith.constant 1 : i32
        %swap3A_365 = arith.index_cast %rem3A_92 : i32 to index
        %swap3A_366 = arith.index_cast %swap3A_364 : i32 to index
        %swap3A_367 = arith.index_cast %add3A_363 : i32 to index
        %swap3A_368 = tpu.vector_load %arg5[%swap3A_365, %swap3A_366, %swap3A_367] {strides = array<i32>} : memref<3x8x4096xf32, #tpu.memory_space<vmem>>, vector<1x1x16xf32>,
        %swap3A_369 = vector.shape_cast %swap3A_368 : vector<1x1x16xf32> to vector<16xf32>
        %swap3A_370 = vector.shape_cast %broadcast_in_dim3A_304 : vector<16xf32> to vector<1x1x16xf32>
        tpu.vector_store %arg5[%swap3A_365, %swap3A_366, %swap3A_367], %swap3A_370 {strides = array<i32>} : memref<3x8x4096xf32, #tpu.memory_space<vmem>>, vector<1x1x16xf32>,
        %mul3A_371 = arith.constant 256 : i32
        %mul3A_372 = arith.muli %scan3A_126, %mul3A_371 : i32
        %add3A_373 = arith.constant 96 : i32
        %add3A_374 = arith.addi %mul3A_372, %add3A_373 : i32
        %swap3A_375 = arith.constant 1 : i32
        %swap3A_376 = arith.index_cast %rem3A_92 : i32 to index
        %swap3A_377 = arith.index_cast %swap3A_375 : i32 to index
        %swap3A_378 = arith.index_cast %add3A_374 : i32 to index
        %swap3A_379 = tpu.vector_load %arg5[%swap3A_376, %swap3A_377, %swap3A_378] {strides = array<i32>} : memref<3x8x4096xf32, #tpu.memory_space<vmem>>, vector<1x1x16xf32>,
        %swap3A_380 = vector.shape_cast %swap3A_379 : vector<1x1x16xf32> to vector<16xf32>
        %swap3A_381 = vector.shape_cast %broadcast_in_dim3A_304 : vector<16xf32> to vector<1x1x16xf32>
        tpu.vector_store %arg5[%swap3A_376, %swap3A_377, %swap3A_378], %swap3A_381 {strides = array<i32>} : memref<3x8x4096xf32, #tpu.memory_space<vmem>>, vector<1x1x16xf32>,
        %mul3A_382 = arith.constant 256 : i32
        %mul3A_383 = arith.muli %scan3A_126, %mul3A_382 : i32
        %add3A_384 = arith.constant 112 : i32
        %add3A_385 = arith.addi %mul3A_383, %add3A_384 : i32
        %swap3A_386 = arith.constant 1 : i32
        %swap3A_387 = arith.index_cast %rem3A_92 : i32 to index
        %swap3A_388 = arith.index_cast %swap3A_386 : i32 to index
        %swap3A_389 = arith.index_cast %add3A_385 : i32 to index
        %swap3A_390 = tpu.vector_load %arg5[%swap3A_387, %swap3A_388, %swap3A_389] {strides = array<i32>} : memref<3x8x4096xf32, #tpu.memory_space<vmem>>, vector<1x1x16xf32>,
        %swap3A_391 = vector.shape_cast %swap3A_390 : vector<1x1x16xf32> to vector<16xf32>
        %swap3A_392 = vector.shape_cast %broadcast_in_dim3A_304 : vector<16xf32> to vector<1x1x16xf32>
        tpu.vector_store %arg5[%swap3A_387, %swap3A_388, %swap3A_389], %swap3A_392 {strides = array<i32>} : memref<3x8x4096xf32, #tpu.memory_space<vmem>>, vector<1x1x16xf32>,
        %mul3A_393 = arith.constant 256 : i32
        %mul3A_394 = arith.muli %scan3A_126, %mul3A_393 : i32
        %add3A_395 = arith.constant 128 : i32
        %add3A_396 = arith.addi %mul3A_394, %add3A_395 : i32
        %swap3A_397 = arith.constant 1 : i32
        %swap3A_398 = arith.index_cast %rem3A_92 : i32 to index
        %swap3A_399 = arith.index_cast %swap3A_397 : i32 to index
        %swap3A_400 = arith.index_cast %add3A_396 : i32 to index
        %swap3A_401 = tpu.vector_load %arg5[%swap3A_398, %swap3A_399, %swap3A_400] {strides = array<i32>} : memref<3x8x4096xf32, #tpu.memory_space<vmem>>, vector<1x1x16xf32>,
        %swap3A_402 = vector.shape_cast %swap3A_401 : vector<1x1x16xf32> to vector<16xf32>
        %swap3A_403 = vector.shape_cast %broadcast_in_dim3A_304 : vector<16xf32> to vector<1x1x16xf32>
        tpu.vector_store %arg5[%swap3A_398, %swap3A_399, %swap3A_400], %swap3A_403 {strides = array<i32>} : memref<3x8x4096xf32, #tpu.memory_space<vmem>>, vector<1x1x16xf32>,
        %mul3A_404 = arith.constant 256 : i32
        %mul3A_405 = arith.muli %scan3A_126, %mul3A_404 : i32
        %add3A_406 = arith.constant 144 : i32
        %add3A_407 = arith.addi %mul3A_405, %add3A_406 : i32
        %swap3A_408 = arith.constant 1 : i32
        %swap3A_409 = arith.index_cast %rem3A_92 : i32 to index
        %swap3A_410 = arith.index_cast %swap3A_408 : i32 to index
        %swap3A_411 = arith.index_cast %add3A_407 : i32 to index
        %swap3A_412 = tpu.vector_load %arg5[%swap3A_409, %swap3A_410, %swap3A_411] {strides = array<i32>} : memref<3x8x4096xf32, #tpu.memory_space<vmem>>, vector<1x1x16xf32>,
        %swap3A_413 = vector.shape_cast %swap3A_412 : vector<1x1x16xf32> to vector<16xf32>
        %swap3A_414 = vector.shape_cast %broadcast_in_dim3A_304 : vector<16xf32> to vector<1x1x16xf32>
        tpu.vector_store %arg5[%swap3A_409, %swap3A_410, %swap3A_411], %swap3A_414 {strides = array<i32>} : memref<3x8x4096xf32, #tpu.memory_space<vmem>>, vector<1x1x16xf32>,
        %mul3A_415 = arith.constant 256 : i32
        %mul3A_416 = arith.muli %scan3A_126, %mul3A_415 : i32
        %add3A_417 = arith.constant 160 : i32
        %add3A_418 = arith.addi %mul3A_416, %add3A_417 : i32
        %swap3A_419 = arith.constant 1 : i32
        %swap3A_420 = arith.index_cast %rem3A_92 : i32 to index
        %swap3A_421 = arith.index_cast %swap3A_419 : i32 to index
        %swap3A_422 = arith.index_cast %add3A_418 : i32 to index
        %swap3A_423 = tpu.vector_load %arg5[%swap3A_420, %swap3A_421, %swap3A_422] {strides = array<i32>} : memref<3x8x4096xf32, #tpu.memory_space<vmem>>, vector<1x1x16xf32>,
        %swap3A_424 = vector.shape_cast %swap3A_423 : vector<1x1x16xf32> to vector<16xf32>
        %swap3A_425 = vector.shape_cast %broadcast_in_dim3A_304 : vector<16xf32> to vector<1x1x16xf32>
        tpu.vector_store %arg5[%swap3A_420, %swap3A_421, %swap3A_422], %swap3A_425 {strides = array<i32>} : memref<3x8x4096xf32, #tpu.memory_space<vmem>>, vector<1x1x16xf32>,
        %mul3A_426 = arith.constant 256 : i32
        %mul3A_427 = arith.muli %scan3A_126, %mul3A_426 : i32
        %add3A_428 = arith.constant 176 : i32
        %add3A_429 = arith.addi %mul3A_427, %add3A_428 : i32
        %swap3A_430 = arith.constant 1 : i32
        %swap3A_431 = arith.index_cast %rem3A_92 : i32 to index
        %swap3A_432 = arith.index_cast %swap3A_430 : i32 to index
        %swap3A_433 = arith.index_cast %add3A_429 : i32 to index
        %swap3A_434 = tpu.vector_load %arg5[%swap3A_431, %swap3A_432, %swap3A_433] {strides = array<i32>} : memref<3x8x4096xf32, #tpu.memory_space<vmem>>, vector<1x1x16xf32>,
        %swap3A_435 = vector.shape_cast %swap3A_434 : vector<1x1x16xf32> to vector<16xf32>
        %swap3A_436 = vector.shape_cast %broadcast_in_dim3A_304 : vector<16xf32> to vector<1x1x16xf32>
        tpu.vector_store %arg5[%swap3A_431, %swap3A_432, %swap3A_433], %swap3A_436 {strides = array<i32>} : memref<3x8x4096xf32, #tpu.memory_space<vmem>>, vector<1x1x16xf32>,
        %mul3A_437 = arith.constant 256 : i32
        %mul3A_438 = arith.muli %scan3A_126, %mul3A_437 : i32
        %add3A_439 = arith.constant 192 : i32
        %add3A_440 = arith.addi %mul3A_438, %add3A_439 : i32
        %swap3A_441 = arith.constant 1 : i32
        %swap3A_442 = arith.index_cast %rem3A_92 : i32 to index
        %swap3A_443 = arith.index_cast %swap3A_441 : i32 to index
        %swap3A_444 = arith.index_cast %add3A_440 : i32 to index
        %swap3A_445 = tpu.vector_load %arg5[%swap3A_442, %swap3A_443, %swap3A_444] {strides = array<i32>} : memref<3x8x4096xf32, #tpu.memory_space<vmem>>, vector<1x1x16xf32>,
        %swap3A_446 = vector.shape_cast %swap3A_445 : vector<1x1x16xf32> to vector<16xf32>
        %swap3A_447 = vector.shape_cast %broadcast_in_dim3A_304 : vector<16xf32> to vector<1x1x16xf32>
        tpu.vector_store %arg5[%swap3A_442, %swap3A_443, %swap3A_444], %swap3A_447 {strides = array<i32>} : memref<3x8x4096xf32, #tpu.memory_space<vmem>>, vector<1x1x16xf32>,
        %mul3A_448 = arith.constant 256 : i32
        %mul3A_449 = arith.muli %scan3A_126, %mul3A_448 : i32
        %add3A_450 = arith.constant 208 : i32
        %add3A_451 = arith.addi %mul3A_449, %add3A_450 : i32
        %swap3A_452 = arith.constant 1 : i32
        %swap3A_453 = arith.index_cast %rem3A_92 : i32 to index
        %swap3A_454 = arith.index_cast %swap3A_452 : i32 to index
        %swap3A_455 = arith.index_cast %add3A_451 : i32 to index
        %swap3A_456 = tpu.vector_load %arg5[%swap3A_453, %swap3A_454, %swap3A_455] {strides = array<i32>} : memref<3x8x4096xf32, #tpu.memory_space<vmem>>, vector<1x1x16xf32>,
        %swap3A_457 = vector.shape_cast %swap3A_456 : vector<1x1x16xf32> to vector<16xf32>
        %swap3A_458 = vector.shape_cast %broadcast_in_dim3A_304 : vector<16xf32> to vector<1x1x16xf32>
        tpu.vector_store %arg5[%swap3A_453, %swap3A_454, %swap3A_455], %swap3A_458 {strides = array<i32>} : memref<3x8x4096xf32, #tpu.memory_space<vmem>>, vector<1x1x16xf32>,
        %mul3A_459 = arith.constant 256 : i32
        %mul3A_460 = arith.muli %scan3A_126, %mul3A_459 : i32
        %add3A_461 = arith.constant 224 : i32
        %add3A_462 = arith.addi %mul3A_460, %add3A_461 : i32
        %swap3A_463 = arith.constant 1 : i32
        %swap3A_464 = arith.index_cast %rem3A_92 : i32 to index
        %swap3A_465 = arith.index_cast %swap3A_463 : i32 to index
        %swap3A_466 = arith.index_cast %add3A_462 : i32 to index
        %swap3A_467 = tpu.vector_load %arg5[%swap3A_464, %swap3A_465, %swap3A_466] {strides = array<i32>} : memref<3x8x4096xf32, #tpu.memory_space<vmem>>, vector<1x1x16xf32>,
        %swap3A_468 = vector.shape_cast %swap3A_467 : vector<1x1x16xf32> to vector<16xf32>
        %swap3A_469 = vector.shape_cast %broadcast_in_dim3A_304 : vector<16xf32> to vector<1x1x16xf32>
        tpu.vector_store %arg5[%swap3A_464, %swap3A_465, %swap3A_466], %swap3A_469 {strides = array<i32>} : memref<3x8x4096xf32, #tpu.memory_space<vmem>>, vector<1x1x16xf32>,
        %mul3A_470 = arith.constant 256 : i32
        %mul3A_471 = arith.muli %scan3A_126, %mul3A_470 : i32
        %add3A_472 = arith.constant 240 : i32
        %add3A_473 = arith.addi %mul3A_471, %add3A_472 : i32
        %swap3A_474 = arith.constant 1 : i32
        %swap3A_475 = arith.index_cast %rem3A_92 : i32 to index
        %swap3A_476 = arith.index_cast %swap3A_474 : i32 to index
        %swap3A_477 = arith.index_cast %add3A_473 : i32 to index
        %swap3A_478 = tpu.vector_load %arg5[%swap3A_475, %swap3A_476, %swap3A_477] {strides = array<i32>} : memref<3x8x4096xf32, #tpu.memory_space<vmem>>, vector<1x1x16xf32>,
        %swap3A_479 = vector.shape_cast %swap3A_478 : vector<1x1x16xf32> to vector<16xf32>
        %swap3A_480 = vector.shape_cast %broadcast_in_dim3A_304 : vector<16xf32> to vector<1x1x16xf32>
        tpu.vector_store %arg5[%swap3A_475, %swap3A_476, %swap3A_477], %swap3A_480 {strides = array<i32>} : memref<3x8x4096xf32, #tpu.memory_space<vmem>>, vector<1x1x16xf32>,
        %slice3A_481 = vector.extract_strided_slice %get3A_98 {offsets = [2], sizes = [1], strides = [1]} : vector<16xf32> to vector<1xf32>
        %squeeze3A_482 = vector.extract %slice3A_481[0] : f32 from vector<1xf32>
        %broadcast_in_dim3A_483 = vector.broadcast %squeeze3A_482 : f32 to vector<16xf32>
        %mul3A_484 = arith.constant 256 : i32
        %mul3A_485 = arith.muli %scan3A_126, %mul3A_484 : i32
        %add3A_486 = arith.constant 0 : i32
        %add3A_487 = arith.addi %mul3A_485, %add3A_486 : i32
        %swap3A_488 = arith.constant 2 : i32
        %swap3A_489 = arith.index_cast %rem3A_92 : i32 to index
        %swap3A_490 = arith.index_cast %swap3A_488 : i32 to index
        %swap3A_491 = arith.index_cast %add3A_487 : i32 to index
        %swap3A_492 = tpu.vector_load %arg5[%swap3A_489, %swap3A_490, %swap3A_491] {strides = array<i32>} : memref<3x8x4096xf32, #tpu.memory_space<vmem>>, vector<1x1x16xf32>,
        %swap3A_493 = vector.shape_cast %swap3A_492 : vector<1x1x16xf32> to vector<16xf32>
        %swap3A_494 = vector.shape_cast %broadcast_in_dim3A_483 : vector<16xf32> to vector<1x1x16xf32>
        tpu.vector_store %arg5[%swap3A_489, %swap3A_490, %swap3A_491], %swap3A_494 {strides = array<i32>} : memref<3x8x4096xf32, #tpu.memory_space<vmem>>, vector<1x1x16xf32>,
        %mul3A_495 = arith.constant 256 : i32
        %mul3A_496 = arith.muli %scan3A_126, %mul3A_495 : i32
        %add3A_497 = arith.constant 16 : i32
        %add3A_498 = arith.addi %mul3A_496, %add3A_497 : i32
        %swap3A_499 = arith.constant 2 : i32
        %swap3A_500 = arith.index_cast %rem3A_92 : i32 to index
        %swap3A_501 = arith.index_cast %swap3A_499 : i32 to index
        %swap3A_502 = arith.index_cast %add3A_498 : i32 to index
        %swap3A_503 = tpu.vector_load %arg5[%swap3A_500, %swap3A_501, %swap3A_502] {strides = array<i32>} : memref<3x8x4096xf32, #tpu.memory_space<vmem>>, vector<1x1x16xf32>,
        %swap3A_504 = vector.shape_cast %swap3A_503 : vector<1x1x16xf32> to vector<16xf32>
        %swap3A_505 = vector.shape_cast %broadcast_in_dim3A_483 : vector<16xf32> to vector<1x1x16xf32>
        tpu.vector_store %arg5[%swap3A_500, %swap3A_501, %swap3A_502], %swap3A_505 {strides = array<i32>} : memref<3x8x4096xf32, #tpu.memory_space<vmem>>, vector<1x1x16xf32>,
        %mul3A_506 = arith.constant 256 : i32
        %mul3A_507 = arith.muli %scan3A_126, %mul3A_506 : i32
        %add3A_508 = arith.constant 32 : i32
        %add3A_509 = arith.addi %mul3A_507, %add3A_508 : i32
        %swap3A_510 = arith.constant 2 : i32
        %swap3A_511 = arith.index_cast %rem3A_92 : i32 to index
        %swap3A_512 = arith.index_cast %swap3A_510 : i32 to index
        %swap3A_513 = arith.index_cast %add3A_509 : i32 to index
        %swap3A_514 = tpu.vector_load %arg5[%swap3A_511, %swap3A_512, %swap3A_513] {strides = array<i32>} : memref<3x8x4096xf32, #tpu.memory_space<vmem>>, vector<1x1x16xf32>,
        %swap3A_515 = vector.shape_cast %swap3A_514 : vector<1x1x16xf32> to vector<16xf32>
        %swap3A_516 = vector.shape_cast %broadcast_in_dim3A_483 : vector<16xf32> to vector<1x1x16xf32>
        tpu.vector_store %arg5[%swap3A_511, %swap3A_512, %swap3A_513], %swap3A_516 {strides = array<i32>} : memref<3x8x4096xf32, #tpu.memory_space<vmem>>, vector<1x1x16xf32>,
        %mul3A_517 = arith.constant 256 : i32
        %mul3A_518 = arith.muli %scan3A_126, %mul3A_517 : i32
        %add3A_519 = arith.constant 48 : i32
        %add3A_520 = arith.addi %mul3A_518, %add3A_519 : i32
        %swap3A_521 = arith.constant 2 : i32
        %swap3A_522 = arith.index_cast %rem3A_92 : i32 to index
        %swap3A_523 = arith.index_cast %swap3A_521 : i32 to index
        %swap3A_524 = arith.index_cast %add3A_520 : i32 to index
        %swap3A_525 = tpu.vector_load %arg5[%swap3A_522, %swap3A_523, %swap3A_524] {strides = array<i32>} : memref<3x8x4096xf32, #tpu.memory_space<vmem>>, vector<1x1x16xf32>,
        %swap3A_526 = vector.shape_cast %swap3A_525 : vector<1x1x16xf32> to vector<16xf32>
        %swap3A_527 = vector.shape_cast %broadcast_in_dim3A_483 : vector<16xf32> to vector<1x1x16xf32>
        tpu.vector_store %arg5[%swap3A_522, %swap3A_523, %swap3A_524], %swap3A_527 {strides = array<i32>} : memref<3x8x4096xf32, #tpu.memory_space<vmem>>, vector<1x1x16xf32>,
        %mul3A_528 = arith.constant 256 : i32
        %mul3A_529 = arith.muli %scan3A_126, %mul3A_528 : i32
        %add3A_530 = arith.constant 64 : i32
        %add3A_531 = arith.addi %mul3A_529, %add3A_530 : i32
        %swap3A_532 = arith.constant 2 : i32
        %swap3A_533 = arith.index_cast %rem3A_92 : i32 to index
        %swap3A_534 = arith.index_cast %swap3A_532 : i32 to index
        %swap3A_535 = arith.index_cast %add3A_531 : i32 to index
        %swap3A_536 = tpu.vector_load %arg5[%swap3A_533, %swap3A_534, %swap3A_535] {strides = array<i32>} : memref<3x8x4096xf32, #tpu.memory_space<vmem>>, vector<1x1x16xf32>,
        %swap3A_537 = vector.shape_cast %swap3A_536 : vector<1x1x16xf32> to vector<16xf32>
        %swap3A_538 = vector.shape_cast %broadcast_in_dim3A_483 : vector<16xf32> to vector<1x1x16xf32>
        tpu.vector_store %arg5[%swap3A_533, %swap3A_534, %swap3A_535], %swap3A_538 {strides = array<i32>} : memref<3x8x4096xf32, #tpu.memory_space<vmem>>, vector<1x1x16xf32>,
        %mul3A_539 = arith.constant 256 : i32
        %mul3A_540 = arith.muli %scan3A_126, %mul3A_539 : i32
        %add3A_541 = arith.constant 80 : i32
        %add3A_542 = arith.addi %mul3A_540, %add3A_541 : i32
        %swap3A_543 = arith.constant 2 : i32
        %swap3A_544 = arith.index_cast %rem3A_92 : i32 to index
        %swap3A_545 = arith.index_cast %swap3A_543 : i32 to index
        %swap3A_546 = arith.index_cast %add3A_542 : i32 to index
        %swap3A_547 = tpu.vector_load %arg5[%swap3A_544, %swap3A_545, %swap3A_546] {strides = array<i32>} : memref<3x8x4096xf32, #tpu.memory_space<vmem>>, vector<1x1x16xf32>,
        %swap3A_548 = vector.shape_cast %swap3A_547 : vector<1x1x16xf32> to vector<16xf32>
        %swap3A_549 = vector.shape_cast %broadcast_in_dim3A_483 : vector<16xf32> to vector<1x1x16xf32>
        tpu.vector_store %arg5[%swap3A_544, %swap3A_545, %swap3A_546], %swap3A_549 {strides = array<i32>} : memref<3x8x4096xf32, #tpu.memory_space<vmem>>, vector<1x1x16xf32>,
        %mul3A_550 = arith.constant 256 : i32
        %mul3A_551 = arith.muli %scan3A_126, %mul3A_550 : i32
        %add3A_552 = arith.constant 96 : i32
        %add3A_553 = arith.addi %mul3A_551, %add3A_552 : i32
        %swap3A_554 = arith.constant 2 : i32
        %swap3A_555 = arith.index_cast %rem3A_92 : i32 to index
        %swap3A_556 = arith.index_cast %swap3A_554 : i32 to index
        %swap3A_557 = arith.index_cast %add3A_553 : i32 to index
        %swap3A_558 = tpu.vector_load %arg5[%swap3A_555, %swap3A_556, %swap3A_557] {strides = array<i32>} : memref<3x8x4096xf32, #tpu.memory_space<vmem>>, vector<1x1x16xf32>,
        %swap3A_559 = vector.shape_cast %swap3A_558 : vector<1x1x16xf32> to vector<16xf32>
        %swap3A_560 = vector.shape_cast %broadcast_in_dim3A_483 : vector<16xf32> to vector<1x1x16xf32>
        tpu.vector_store %arg5[%swap3A_555, %swap3A_556, %swap3A_557], %swap3A_560 {strides = array<i32>} : memref<3x8x4096xf32, #tpu.memory_space<vmem>>, vector<1x1x16xf32>,
        %mul3A_561 = arith.constant 256 : i32
        %mul3A_562 = arith.muli %scan3A_126, %mul3A_561 : i32
        %add3A_563 = arith.constant 112 : i32
        %add3A_564 = arith.addi %mul3A_562, %add3A_563 : i32
        %swap3A_565 = arith.constant 2 : i32
        %swap3A_566 = arith.index_cast %rem3A_92 : i32 to index
        %swap3A_567 = arith.index_cast %swap3A_565 : i32 to index
        %swap3A_568 = arith.index_cast %add3A_564 : i32 to index
        %swap3A_569 = tpu.vector_load %arg5[%swap3A_566, %swap3A_567, %swap3A_568] {strides = array<i32>} : memref<3x8x4096xf32, #tpu.memory_space<vmem>>, vector<1x1x16xf32>,
        %swap3A_570 = vector.shape_cast %swap3A_569 : vector<1x1x16xf32> to vector<16xf32>
        %swap3A_571 = vector.shape_cast %broadcast_in_dim3A_483 : vector<16xf32> to vector<1x1x16xf32>
        tpu.vector_store %arg5[%swap3A_566, %swap3A_567, %swap3A_568], %swap3A_571 {strides = array<i32>} : memref<3x8x4096xf32, #tpu.memory_space<vmem>>, vector<1x1x16xf32>,
        %mul3A_572 = arith.constant 256 : i32
        %mul3A_573 = arith.muli %scan3A_126, %mul3A_572 : i32
        %add3A_574 = arith.constant 128 : i32
        %add3A_575 = arith.addi %mul3A_573, %add3A_574 : i32
        %swap3A_576 = arith.constant 2 : i32
        %swap3A_577 = arith.index_cast %rem3A_92 : i32 to index
        %swap3A_578 = arith.index_cast %swap3A_576 : i32 to index
        %swap3A_579 = arith.index_cast %add3A_575 : i32 to index
        %swap3A_580 = tpu.vector_load %arg5[%swap3A_577, %swap3A_578, %swap3A_579] {strides = array<i32>} : memref<3x8x4096xf32, #tpu.memory_space<vmem>>, vector<1x1x16xf32>,
        %swap3A_581 = vector.shape_cast %swap3A_580 : vector<1x1x16xf32> to vector<16xf32>
        %swap3A_582 = vector.shape_cast %broadcast_in_dim3A_483 : vector<16xf32> to vector<1x1x16xf32>
        tpu.vector_store %arg5[%swap3A_577, %swap3A_578, %swap3A_579], %swap3A_582 {strides = array<i32>} : memref<3x8x4096xf32, #tpu.memory_space<vmem>>, vector<1x1x16xf32>,
        %mul3A_583 = arith.constant 256 : i32
        %mul3A_584 = arith.muli %scan3A_126, %mul3A_583 : i32
        %add3A_585 = arith.constant 144 : i32
        %add3A_586 = arith.addi %mul3A_584, %add3A_585 : i32
        %swap3A_587 = arith.constant 2 : i32
        %swap3A_588 = arith.index_cast %rem3A_92 : i32 to index
        %swap3A_589 = arith.index_cast %swap3A_587 : i32 to index
        %swap3A_590 = arith.index_cast %add3A_586 : i32 to index
        %swap3A_591 = tpu.vector_load %arg5[%swap3A_588, %swap3A_589, %swap3A_590] {strides = array<i32>} : memref<3x8x4096xf32, #tpu.memory_space<vmem>>, vector<1x1x16xf32>,
        %swap3A_592 = vector.shape_cast %swap3A_591 : vector<1x1x16xf32> to vector<16xf32>
        %swap3A_593 = vector.shape_cast %broadcast_in_dim3A_483 : vector<16xf32> to vector<1x1x16xf32>
        tpu.vector_store %arg5[%swap3A_588, %swap3A_589, %swap3A_590], %swap3A_593 {strides = array<i32>} : memref<3x8x4096xf32, #tpu.memory_space<vmem>>, vector<1x1x16xf32>,
        %mul3A_594 = arith.constant 256 : i32
        %mul3A_595 = arith.muli %scan3A_126, %mul3A_594 : i32
        %add3A_596 = arith.constant 160 : i32
        %add3A_597 = arith.addi %mul3A_595, %add3A_596 : i32
        %swap3A_598 = arith.constant 2 : i32
        %swap3A_599 = arith.index_cast %rem3A_92 : i32 to index
        %swap3A_600 = arith.index_cast %swap3A_598 : i32 to index
        %swap3A_601 = arith.index_cast %add3A_597 : i32 to index
        %swap3A_602 = tpu.vector_load %arg5[%swap3A_599, %swap3A_600, %swap3A_601] {strides = array<i32>} : memref<3x8x4096xf32, #tpu.memory_space<vmem>>, vector<1x1x16xf32>,
        %swap3A_603 = vector.shape_cast %swap3A_602 : vector<1x1x16xf32> to vector<16xf32>
        %swap3A_604 = vector.shape_cast %broadcast_in_dim3A_483 : vector<16xf32> to vector<1x1x16xf32>
        tpu.vector_store %arg5[%swap3A_599, %swap3A_600, %swap3A_601], %swap3A_604 {strides = array<i32>} : memref<3x8x4096xf32, #tpu.memory_space<vmem>>, vector<1x1x16xf32>,
        %mul3A_605 = arith.constant 256 : i32
        %mul3A_606 = arith.muli %scan3A_126, %mul3A_605 : i32
        %add3A_607 = arith.constant 176 : i32
        %add3A_608 = arith.addi %mul3A_606, %add3A_607 : i32
        %swap3A_609 = arith.constant 2 : i32
        %swap3A_610 = arith.index_cast %rem3A_92 : i32 to index
        %swap3A_611 = arith.index_cast %swap3A_609 : i32 to index
        %swap3A_612 = arith.index_cast %add3A_608 : i32 to index
        %swap3A_613 = tpu.vector_load %arg5[%swap3A_610, %swap3A_611, %swap3A_612] {strides = array<i32>} : memref<3x8x4096xf32, #tpu.memory_space<vmem>>, vector<1x1x16xf32>,
        %swap3A_614 = vector.shape_cast %swap3A_613 : vector<1x1x16xf32> to vector<16xf32>
        %swap3A_615 = vector.shape_cast %broadcast_in_dim3A_483 : vector<16xf32> to vector<1x1x16xf32>
        tpu.vector_store %arg5[%swap3A_610, %swap3A_611, %swap3A_612], %swap3A_615 {strides = array<i32>} : memref<3x8x4096xf32, #tpu.memory_space<vmem>>, vector<1x1x16xf32>,
        %mul3A_616 = arith.constant 256 : i32
        %mul3A_617 = arith.muli %scan3A_126, %mul3A_616 : i32
        %add3A_618 = arith.constant 192 : i32
        %add3A_619 = arith.addi %mul3A_617, %add3A_618 : i32
        %swap3A_620 = arith.constant 2 : i32
        %swap3A_621 = arith.index_cast %rem3A_92 : i32 to index
        %swap3A_622 = arith.index_cast %swap3A_620 : i32 to index
        %swap3A_623 = arith.index_cast %add3A_619 : i32 to index
        %swap3A_624 = tpu.vector_load %arg5[%swap3A_621, %swap3A_622, %swap3A_623] {strides = array<i32>} : memref<3x8x4096xf32, #tpu.memory_space<vmem>>, vector<1x1x16xf32>,
        %swap3A_625 = vector.shape_cast %swap3A_624 : vector<1x1x16xf32> to vector<16xf32>
        %swap3A_626 = vector.shape_cast %broadcast_in_dim3A_483 : vector<16xf32> to vector<1x1x16xf32>
        tpu.vector_store %arg5[%swap3A_621, %swap3A_622, %swap3A_623], %swap3A_626 {strides = array<i32>} : memref<3x8x4096xf32, #tpu.memory_space<vmem>>, vector<1x1x16xf32>,
        %mul3A_627 = arith.constant 256 : i32
        %mul3A_628 = arith.muli %scan3A_126, %mul3A_627 : i32
        %add3A_629 = arith.constant 208 : i32
        %add3A_630 = arith.addi %mul3A_628, %add3A_629 : i32
        %swap3A_631 = arith.constant 2 : i32
        %swap3A_632 = arith.index_cast %rem3A_92 : i32 to index
        %swap3A_633 = arith.index_cast %swap3A_631 : i32 to index
        %swap3A_634 = arith.index_cast %add3A_630 : i32 to index
        %swap3A_635 = tpu.vector_load %arg5[%swap3A_632, %swap3A_633, %swap3A_634] {strides = array<i32>} : memref<3x8x4096xf32, #tpu.memory_space<vmem>>, vector<1x1x16xf32>,
        %swap3A_636 = vector.shape_cast %swap3A_635 : vector<1x1x16xf32> to vector<16xf32>
        %swap3A_637 = vector.shape_cast %broadcast_in_dim3A_483 : vector<16xf32> to vector<1x1x16xf32>
        tpu.vector_store %arg5[%swap3A_632, %swap3A_633, %swap3A_634], %swap3A_637 {strides = array<i32>} : memref<3x8x4096xf32, #tpu.memory_space<vmem>>, vector<1x1x16xf32>,
        %mul3A_638 = arith.constant 256 : i32
        %mul3A_639 = arith.muli %scan3A_126, %mul3A_638 : i32
        %add3A_640 = arith.constant 224 : i32
        %add3A_641 = arith.addi %mul3A_639, %add3A_640 : i32
        %swap3A_642 = arith.constant 2 : i32
        %swap3A_643 = arith.index_cast %rem3A_92 : i32 to index
        %swap3A_644 = arith.index_cast %swap3A_642 : i32 to index
        %swap3A_645 = arith.index_cast %add3A_641 : i32 to index
        %swap3A_646 = tpu.vector_load %arg5[%swap3A_643, %swap3A_644, %swap3A_645] {strides = array<i32>} : memref<3x8x4096xf32, #tpu.memory_space<vmem>>, vector<1x1x16xf32>,
        %swap3A_647 = vector.shape_cast %swap3A_646 : vector<1x1x16xf32> to vector<16xf32>
        %swap3A_648 = vector.shape_cast %broadcast_in_dim3A_483 : vector<16xf32> to vector<1x1x16xf32>
        tpu.vector_store %arg5[%swap3A_643, %swap3A_644, %swap3A_645], %swap3A_648 {strides = array<i32>} : memref<3x8x4096xf32, #tpu.memory_space<vmem>>, vector<1x1x16xf32>,
        %mul3A_649 = arith.constant 256 : i32
        %mul3A_650 = arith.muli %scan3A_126, %mul3A_649 : i32
        %add3A_651 = arith.constant 240 : i32
        %add3A_652 = arith.addi %mul3A_650, %add3A_651 : i32
        %swap3A_653 = arith.constant 2 : i32
        %swap3A_654 = arith.index_cast %rem3A_92 : i32 to index
        %swap3A_655 = arith.index_cast %swap3A_653 : i32 to index
        %swap3A_656 = arith.index_cast %add3A_652 : i32 to index
        %swap3A_657 = tpu.vector_load %arg5[%swap3A_654, %swap3A_655, %swap3A_656] {strides = array<i32>} : memref<3x8x4096xf32, #tpu.memory_space<vmem>>, vector<1x1x16xf32>,
        %swap3A_658 = vector.shape_cast %swap3A_657 : vector<1x1x16xf32> to vector<16xf32>
        %swap3A_659 = vector.shape_cast %broadcast_in_dim3A_483 : vector<16xf32> to vector<1x1x16xf32>
        tpu.vector_store %arg5[%swap3A_654, %swap3A_655, %swap3A_656], %swap3A_659 {strides = array<i32>} : memref<3x8x4096xf32, #tpu.memory_space<vmem>>, vector<1x1x16xf32>,
        %slice3A_660 = vector.extract_strided_slice %get3A_98 {offsets = [3], sizes = [1], strides = [1]} : vector<16xf32> to vector<1xf32>
        %squeeze3A_661 = vector.extract %slice3A_660[0] : f32 from vector<1xf32>
        %broadcast_in_dim3A_662 = vector.broadcast %squeeze3A_661 : f32 to vector<16xf32>
        %mul3A_663 = arith.constant 256 : i32
        %mul3A_664 = arith.muli %scan3A_126, %mul3A_663 : i32
        %add3A_665 = arith.constant 0 : i32
        %add3A_666 = arith.addi %mul3A_664, %add3A_665 : i32
        %swap3A_667 = arith.constant 3 : i32
        %swap3A_668 = arith.index_cast %rem3A_92 : i32 to index
        %swap3A_669 = arith.index_cast %swap3A_667 : i32 to index
        %swap3A_670 = arith.index_cast %add3A_666 : i32 to index
        %swap3A_671 = tpu.vector_load %arg5[%swap3A_668, %swap3A_669, %swap3A_670] {strides = array<i32>} : memref<3x8x4096xf32, #tpu.memory_space<vmem>>, vector<1x1x16xf32>,
        %swap3A_672 = vector.shape_cast %swap3A_671 : vector<1x1x16xf32> to vector<16xf32>
        %swap3A_673 = vector.shape_cast %broadcast_in_dim3A_662 : vector<16xf32> to vector<1x1x16xf32>
        tpu.vector_store %arg5[%swap3A_668, %swap3A_669, %swap3A_670], %swap3A_673 {strides = array<i32>} : memref<3x8x4096xf32, #tpu.memory_space<vmem>>, vector<1x1x16xf32>,
        %mul3A_674 = arith.constant 256 : i32
        %mul3A_675 = arith.muli %scan3A_126, %mul3A_674 : i32
        %add3A_676 = arith.constant 16 : i32
        %add3A_677 = arith.addi %mul3A_675, %add3A_676 : i32
        %swap3A_678 = arith.constant 3 : i32
        %swap3A_679 = arith.index_cast %rem3A_92 : i32 to index
        %swap3A_680 = arith.index_cast %swap3A_678 : i32 to index
        %swap3A_681 = arith.index_cast %add3A_677 : i32 to index
        %swap3A_682 = tpu.vector_load %arg5[%swap3A_679, %swap3A_680, %swap3A_681] {strides = array<i32>} : memref<3x8x4096xf32, #tpu.memory_space<vmem>>, vector<1x1x16xf32>,
        %swap3A_683 = vector.shape_cast %swap3A_682 : vector<1x1x16xf32> to vector<16xf32>
        %swap3A_684 = vector.shape_cast %broadcast_in_dim3A_662 : vector<16xf32> to vector<1x1x16xf32>
        tpu.vector_store %arg5[%swap3A_679, %swap3A_680, %swap3A_681], %swap3A_684 {strides = array<i32>} : memref<3x8x4096xf32, #tpu.memory_space<vmem>>, vector<1x1x16xf32>,
        %mul3A_685 = arith.constant 256 : i32
        %mul3A_686 = arith.muli %scan3A_126, %mul3A_685 : i32
        %add3A_687 = arith.constant 32 : i32
        %add3A_688 = arith.addi %mul3A_686, %add3A_687 : i32
        %swap3A_689 = arith.constant 3 : i32
        %swap3A_690 = arith.index_cast %rem3A_92 : i32 to index
        %swap3A_691 = arith.index_cast %swap3A_689 : i32 to index
        %swap3A_692 = arith.index_cast %add3A_688 : i32 to index
        %swap3A_693 = tpu.vector_load %arg5[%swap3A_690, %swap3A_691, %swap3A_692] {strides = array<i32>} : memref<3x8x4096xf32, #tpu.memory_space<vmem>>, vector<1x1x16xf32>,
        %swap3A_694 = vector.shape_cast %swap3A_693 : vector<1x1x16xf32> to vector<16xf32>
        %swap3A_695 = vector.shape_cast %broadcast_in_dim3A_662 : vector<16xf32> to vector<1x1x16xf32>
        tpu.vector_store %arg5[%swap3A_690, %swap3A_691, %swap3A_692], %swap3A_695 {strides = array<i32>} : memref<3x8x4096xf32, #tpu.memory_space<vmem>>, vector<1x1x16xf32>,
        %mul3A_696 = arith.constant 256 : i32
        %mul3A_697 = arith.muli %scan3A_126, %mul3A_696 : i32
        %add3A_698 = arith.constant 48 : i32
        %add3A_699 = arith.addi %mul3A_697, %add3A_698 : i32
        %swap3A_700 = arith.constant 3 : i32
        %swap3A_701 = arith.index_cast %rem3A_92 : i32 to index
        %swap3A_702 = arith.index_cast %swap3A_700 : i32 to index
        %swap3A_703 = arith.index_cast %add3A_699 : i32 to index
        %swap3A_704 = tpu.vector_load %arg5[%swap3A_701, %swap3A_702, %swap3A_703] {strides = array<i32>} : memref<3x8x4096xf32, #tpu.memory_space<vmem>>, vector<1x1x16xf32>,
        %swap3A_705 = vector.shape_cast %swap3A_704 : vector<1x1x16xf32> to vector<16xf32>
        %swap3A_706 = vector.shape_cast %broadcast_in_dim3A_662 : vector<16xf32> to vector<1x1x16xf32>
        tpu.vector_store %arg5[%swap3A_701, %swap3A_702, %swap3A_703], %swap3A_706 {strides = array<i32>} : memref<3x8x4096xf32, #tpu.memory_space<vmem>>, vector<1x1x16xf32>,
        %mul3A_707 = arith.constant 256 : i32
        %mul3A_708 = arith.muli %scan3A_126, %mul3A_707 : i32
        %add3A_709 = arith.constant 64 : i32
        %add3A_710 = arith.addi %mul3A_708, %add3A_709 : i32
        %swap3A_711 = arith.constant 3 : i32
        %swap3A_712 = arith.index_cast %rem3A_92 : i32 to index
        %swap3A_713 = arith.index_cast %swap3A_711 : i32 to index
        %swap3A_714 = arith.index_cast %add3A_710 : i32 to index
        %swap3A_715 = tpu.vector_load %arg5[%swap3A_712, %swap3A_713, %swap3A_714] {strides = array<i32>} : memref<3x8x4096xf32, #tpu.memory_space<vmem>>, vector<1x1x16xf32>,
        %swap3A_716 = vector.shape_cast %swap3A_715 : vector<1x1x16xf32> to vector<16xf32>
        %swap3A_717 = vector.shape_cast %broadcast_in_dim3A_662 : vector<16xf32> to vector<1x1x16xf32>
        tpu.vector_store %arg5[%swap3A_712, %swap3A_713, %swap3A_714], %swap3A_717 {strides = array<i32>} : memref<3x8x4096xf32, #tpu.memory_space<vmem>>, vector<1x1x16xf32>,
        %mul3A_718 = arith.constant 256 : i32
        %mul3A_719 = arith.muli %scan3A_126, %mul3A_718 : i32
        %add3A_720 = arith.constant 80 : i32
        %add3A_721 = arith.addi %mul3A_719, %add3A_720 : i32
        %swap3A_722 = arith.constant 3 : i32
        %swap3A_723 = arith.index_cast %rem3A_92 : i32 to index
        %swap3A_724 = arith.index_cast %swap3A_722 : i32 to index
        %swap3A_725 = arith.index_cast %add3A_721 : i32 to index
        %swap3A_726 = tpu.vector_load %arg5[%swap3A_723, %swap3A_724, %swap3A_725] {strides = array<i32>} : memref<3x8x4096xf32, #tpu.memory_space<vmem>>, vector<1x1x16xf32>,
        %swap3A_727 = vector.shape_cast %swap3A_726 : vector<1x1x16xf32> to vector<16xf32>
        %swap3A_728 = vector.shape_cast %broadcast_in_dim3A_662 : vector<16xf32> to vector<1x1x16xf32>
        tpu.vector_store %arg5[%swap3A_723, %swap3A_724, %swap3A_725], %swap3A_728 {strides = array<i32>} : memref<3x8x4096xf32, #tpu.memory_space<vmem>>, vector<1x1x16xf32>,
        %mul3A_729 = arith.constant 256 : i32
        %mul3A_730 = arith.muli %scan3A_126, %mul3A_729 : i32
        %add3A_731 = arith.constant 96 : i32
        %add3A_732 = arith.addi %mul3A_730, %add3A_731 : i32
        %swap3A_733 = arith.constant 3 : i32
        %swap3A_734 = arith.index_cast %rem3A_92 : i32 to index
        %swap3A_735 = arith.index_cast %swap3A_733 : i32 to index
        %swap3A_736 = arith.index_cast %add3A_732 : i32 to index
        %swap3A_737 = tpu.vector_load %arg5[%swap3A_734, %swap3A_735, %swap3A_736] {strides = array<i32>} : memref<3x8x4096xf32, #tpu.memory_space<vmem>>, vector<1x1x16xf32>,
        %swap3A_738 = vector.shape_cast %swap3A_737 : vector<1x1x16xf32> to vector<16xf32>
        %swap3A_739 = vector.shape_cast %broadcast_in_dim3A_662 : vector<16xf32> to vector<1x1x16xf32>
        tpu.vector_store %arg5[%swap3A_734, %swap3A_735, %swap3A_736], %swap3A_739 {strides = array<i32>} : memref<3x8x4096xf32, #tpu.memory_space<vmem>>, vector<1x1x16xf32>,
        %mul3A_740 = arith.constant 256 : i32
        %mul3A_741 = arith.muli %scan3A_126, %mul3A_740 : i32
        %add3A_742 = arith.constant 112 : i32
        %add3A_743 = arith.addi %mul3A_741, %add3A_742 : i32
        %swap3A_744 = arith.constant 3 : i32
        %swap3A_745 = arith.index_cast %rem3A_92 : i32 to index
        %swap3A_746 = arith.index_cast %swap3A_744 : i32 to index
        %swap3A_747 = arith.index_cast %add3A_743 : i32 to index
        %swap3A_748 = tpu.vector_load %arg5[%swap3A_745, %swap3A_746, %swap3A_747] {strides = array<i32>} : memref<3x8x4096xf32, #tpu.memory_space<vmem>>, vector<1x1x16xf32>,
        %swap3A_749 = vector.shape_cast %swap3A_748 : vector<1x1x16xf32> to vector<16xf32>
        %swap3A_750 = vector.shape_cast %broadcast_in_dim3A_662 : vector<16xf32> to vector<1x1x16xf32>
        tpu.vector_store %arg5[%swap3A_745, %swap3A_746, %swap3A_747], %swap3A_750 {strides = array<i32>} : memref<3x8x4096xf32, #tpu.memory_space<vmem>>, vector<1x1x16xf32>,
        %mul3A_751 = arith.constant 256 : i32
        %mul3A_752 = arith.muli %scan3A_126, %mul3A_751 : i32
        %add3A_753 = arith.constant 128 : i32
        %add3A_754 = arith.addi %mul3A_752, %add3A_753 : i32
        %swap3A_755 = arith.constant 3 : i32
        %swap3A_756 = arith.index_cast %rem3A_92 : i32 to index
        %swap3A_757 = arith.index_cast %swap3A_755 : i32 to index
        %swap3A_758 = arith.index_cast %add3A_754 : i32 to index
        %swap3A_759 = tpu.vector_load %arg5[%swap3A_756, %swap3A_757, %swap3A_758] {strides = array<i32>} : memref<3x8x4096xf32, #tpu.memory_space<vmem>>, vector<1x1x16xf32>,
        %swap3A_760 = vector.shape_cast %swap3A_759 : vector<1x1x16xf32> to vector<16xf32>
        %swap3A_761 = vector.shape_cast %broadcast_in_dim3A_662 : vector<16xf32> to vector<1x1x16xf32>
        tpu.vector_store %arg5[%swap3A_756, %swap3A_757, %swap3A_758], %swap3A_761 {strides = array<i32>} : memref<3x8x4096xf32, #tpu.memory_space<vmem>>, vector<1x1x16xf32>,
        %mul3A_762 = arith.constant 256 : i32
        %mul3A_763 = arith.muli %scan3A_126, %mul3A_762 : i32
        %add3A_764 = arith.constant 144 : i32
        %add3A_765 = arith.addi %mul3A_763, %add3A_764 : i32
        %swap3A_766 = arith.constant 3 : i32
        %swap3A_767 = arith.index_cast %rem3A_92 : i32 to index
        %swap3A_768 = arith.index_cast %swap3A_766 : i32 to index
        %swap3A_769 = arith.index_cast %add3A_765 : i32 to index
        %swap3A_770 = tpu.vector_load %arg5[%swap3A_767, %swap3A_768, %swap3A_769] {strides = array<i32>} : memref<3x8x4096xf32, #tpu.memory_space<vmem>>, vector<1x1x16xf32>,
        %swap3A_771 = vector.shape_cast %swap3A_770 : vector<1x1x16xf32> to vector<16xf32>
        %swap3A_772 = vector.shape_cast %broadcast_in_dim3A_662 : vector<16xf32> to vector<1x1x16xf32>
        tpu.vector_store %arg5[%swap3A_767, %swap3A_768, %swap3A_769], %swap3A_772 {strides = array<i32>} : memref<3x8x4096xf32, #tpu.memory_space<vmem>>, vector<1x1x16xf32>,
        %mul3A_773 = arith.constant 256 : i32
        %mul3A_774 = arith.muli %scan3A_126, %mul3A_773 : i32
        %add3A_775 = arith.constant 160 : i32
        %add3A_776 = arith.addi %mul3A_774, %add3A_775 : i32
        %swap3A_777 = arith.constant 3 : i32
        %swap3A_778 = arith.index_cast %rem3A_92 : i32 to index
        %swap3A_779 = arith.index_cast %swap3A_777 : i32 to index
        %swap3A_780 = arith.index_cast %add3A_776 : i32 to index
        %swap3A_781 = tpu.vector_load %arg5[%swap3A_778, %swap3A_779, %swap3A_780] {strides = array<i32>} : memref<3x8x4096xf32, #tpu.memory_space<vmem>>, vector<1x1x16xf32>,
        %swap3A_782 = vector.shape_cast %swap3A_781 : vector<1x1x16xf32> to vector<16xf32>
        %swap3A_783 = vector.shape_cast %broadcast_in_dim3A_662 : vector<16xf32> to vector<1x1x16xf32>
        tpu.vector_store %arg5[%swap3A_778, %swap3A_779, %swap3A_780], %swap3A_783 {strides = array<i32>} : memref<3x8x4096xf32, #tpu.memory_space<vmem>>, vector<1x1x16xf32>,
        %mul3A_784 = arith.constant 256 : i32
        %mul3A_785 = arith.muli %scan3A_126, %mul3A_784 : i32
        %add3A_786 = arith.constant 176 : i32
        %add3A_787 = arith.addi %mul3A_785, %add3A_786 : i32
        %swap3A_788 = arith.constant 3 : i32
        %swap3A_789 = arith.index_cast %rem3A_92 : i32 to index
        %swap3A_790 = arith.index_cast %swap3A_788 : i32 to index
        %swap3A_791 = arith.index_cast %add3A_787 : i32 to index
        %swap3A_792 = tpu.vector_load %arg5[%swap3A_789, %swap3A_790, %swap3A_791] {strides = array<i32>} : memref<3x8x4096xf32, #tpu.memory_space<vmem>>, vector<1x1x16xf32>,
        %swap3A_793 = vector.shape_cast %swap3A_792 : vector<1x1x16xf32> to vector<16xf32>
        %swap3A_794 = vector.shape_cast %broadcast_in_dim3A_662 : vector<16xf32> to vector<1x1x16xf32>
        tpu.vector_store %arg5[%swap3A_789, %swap3A_790, %swap3A_791], %swap3A_794 {strides = array<i32>} : memref<3x8x4096xf32, #tpu.memory_space<vmem>>, vector<1x1x16xf32>,
        %mul3A_795 = arith.constant 256 : i32
        %mul3A_796 = arith.muli %scan3A_126, %mul3A_795 : i32
        %add3A_797 = arith.constant 192 : i32
        %add3A_798 = arith.addi %mul3A_796, %add3A_797 : i32
        %swap3A_799 = arith.constant 3 : i32
        %swap3A_800 = arith.index_cast %rem3A_92 : i32 to index
        %swap3A_801 = arith.index_cast %swap3A_799 : i32 to index
        %swap3A_802 = arith.index_cast %add3A_798 : i32 to index
        %swap3A_803 = tpu.vector_load %arg5[%swap3A_800, %swap3A_801, %swap3A_802] {strides = array<i32>} : memref<3x8x4096xf32, #tpu.memory_space<vmem>>, vector<1x1x16xf32>,
        %swap3A_804 = vector.shape_cast %swap3A_803 : vector<1x1x16xf32> to vector<16xf32>
        %swap3A_805 = vector.shape_cast %broadcast_in_dim3A_662 : vector<16xf32> to vector<1x1x16xf32>
        tpu.vector_store %arg5[%swap3A_800, %swap3A_801, %swap3A_802], %swap3A_805 {strides = array<i32>} : memref<3x8x4096xf32, #tpu.memory_space<vmem>>, vector<1x1x16xf32>,
        %mul3A_806 = arith.constant 256 : i32
        %mul3A_807 = arith.muli %scan3A_126, %mul3A_806 : i32
        %add3A_808 = arith.constant 208 : i32
        %add3A_809 = arith.addi %mul3A_807, %add3A_808 : i32
        %swap3A_810 = arith.constant 3 : i32
        %swap3A_811 = arith.index_cast %rem3A_92 : i32 to index
        %swap3A_812 = arith.index_cast %swap3A_810 : i32 to index
        %swap3A_813 = arith.index_cast %add3A_809 : i32 to index
        %swap3A_814 = tpu.vector_load %arg5[%swap3A_811, %swap3A_812, %swap3A_813] {strides = array<i32>} : memref<3x8x4096xf32, #tpu.memory_space<vmem>>, vector<1x1x16xf32>,
        %swap3A_815 = vector.shape_cast %swap3A_814 : vector<1x1x16xf32> to vector<16xf32>
        %swap3A_816 = vector.shape_cast %broadcast_in_dim3A_662 : vector<16xf32> to vector<1x1x16xf32>
        tpu.vector_store %arg5[%swap3A_811, %swap3A_812, %swap3A_813], %swap3A_816 {strides = array<i32>} : memref<3x8x4096xf32, #tpu.memory_space<vmem>>, vector<1x1x16xf32>,
        %mul3A_817 = arith.constant 256 : i32
        %mul3A_818 = arith.muli %scan3A_126, %mul3A_817 : i32
        %add3A_819 = arith.constant 224 : i32
        %add3A_820 = arith.addi %mul3A_818, %add3A_819 : i32
        %swap3A_821 = arith.constant 3 : i32
        %swap3A_822 = arith.index_cast %rem3A_92 : i32 to index
        %swap3A_823 = arith.index_cast %swap3A_821 : i32 to index
        %swap3A_824 = arith.index_cast %add3A_820 : i32 to index
        %swap3A_825 = tpu.vector_load %arg5[%swap3A_822, %swap3A_823, %swap3A_824] {strides = array<i32>} : memref<3x8x4096xf32, #tpu.memory_space<vmem>>, vector<1x1x16xf32>,
        %swap3A_826 = vector.shape_cast %swap3A_825 : vector<1x1x16xf32> to vector<16xf32>
        %swap3A_827 = vector.shape_cast %broadcast_in_dim3A_662 : vector<16xf32> to vector<1x1x16xf32>
        tpu.vector_store %arg5[%swap3A_822, %swap3A_823, %swap3A_824], %swap3A_827 {strides = array<i32>} : memref<3x8x4096xf32, #tpu.memory_space<vmem>>, vector<1x1x16xf32>,
        %mul3A_828 = arith.constant 256 : i32
        %mul3A_829 = arith.muli %scan3A_126, %mul3A_828 : i32
        %add3A_830 = arith.constant 240 : i32
        %add3A_831 = arith.addi %mul3A_829, %add3A_830 : i32
        %swap3A_832 = arith.constant 3 : i32
        %swap3A_833 = arith.index_cast %rem3A_92 : i32 to index
        %swap3A_834 = arith.index_cast %swap3A_832 : i32 to index
        %swap3A_835 = arith.index_cast %add3A_831 : i32 to index
        %swap3A_836 = tpu.vector_load %arg5[%swap3A_833, %swap3A_834, %swap3A_835] {strides = array<i32>} : memref<3x8x4096xf32, #tpu.memory_space<vmem>>, vector<1x1x16xf32>,
        %swap3A_837 = vector.shape_cast %swap3A_836 : vector<1x1x16xf32> to vector<16xf32>
        %swap3A_838 = vector.shape_cast %broadcast_in_dim3A_662 : vector<16xf32> to vector<1x1x16xf32>
        tpu.vector_store %arg5[%swap3A_833, %swap3A_834, %swap3A_835], %swap3A_838 {strides = array<i32>} : memref<3x8x4096xf32, #tpu.memory_space<vmem>>, vector<1x1x16xf32>,
        %slice3A_839 = vector.extract_strided_slice %get3A_98 {offsets = [4], sizes = [1], strides = [1]} : vector<16xf32> to vector<1xf32>
        %squeeze3A_840 = vector.extract %slice3A_839[0] : f32 from vector<1xf32>
        %broadcast_in_dim3A_841 = vector.broadcast %squeeze3A_840 : f32 to vector<16xf32>
        %mul3A_842 = arith.constant 256 : i32
        %mul3A_843 = arith.muli %scan3A_126, %mul3A_842 : i32
        %add3A_844 = arith.constant 0 : i32
        %add3A_845 = arith.addi %mul3A_843, %add3A_844 : i32
        %swap3A_846 = arith.constant 4 : i32
        %swap3A_847 = arith.index_cast %rem3A_92 : i32 to index
        %swap3A_848 = arith.index_cast %swap3A_846 : i32 to index
        %swap3A_849 = arith.index_cast %add3A_845 : i32 to index
        %swap3A_850 = tpu.vector_load %arg5[%swap3A_847, %swap3A_848, %swap3A_849] {strides = array<i32>} : memref<3x8x4096xf32, #tpu.memory_space<vmem>>, vector<1x1x16xf32>,
        %swap3A_851 = vector.shape_cast %swap3A_850 : vector<1x1x16xf32> to vector<16xf32>
        %swap3A_852 = vector.shape_cast %broadcast_in_dim3A_841 : vector<16xf32> to vector<1x1x16xf32>
        tpu.vector_store %arg5[%swap3A_847, %swap3A_848, %swap3A_849], %swap3A_852 {strides = array<i32>} : memref<3x8x4096xf32, #tpu.memory_space<vmem>>, vector<1x1x16xf32>,
        %mul3A_853 = arith.constant 256 : i32
        %mul3A_854 = arith.muli %scan3A_126, %mul3A_853 : i32
        %add3A_855 = arith.constant 16 : i32
        %add3A_856 = arith.addi %mul3A_854, %add3A_855 : i32
        %swap3A_857 = arith.constant 4 : i32
        %swap3A_858 = arith.index_cast %rem3A_92 : i32 to index
        %swap3A_859 = arith.index_cast %swap3A_857 : i32 to index
        %swap3A_860 = arith.index_cast %add3A_856 : i32 to index
        %swap3A_861 = tpu.vector_load %arg5[%swap3A_858, %swap3A_859, %swap3A_860] {strides = array<i32>} : memref<3x8x4096xf32, #tpu.memory_space<vmem>>, vector<1x1x16xf32>,
        %swap3A_862 = vector.shape_cast %swap3A_861 : vector<1x1x16xf32> to vector<16xf32>
        %swap3A_863 = vector.shape_cast %broadcast_in_dim3A_841 : vector<16xf32> to vector<1x1x16xf32>
        tpu.vector_store %arg5[%swap3A_858, %swap3A_859, %swap3A_860], %swap3A_863 {strides = array<i32>} : memref<3x8x4096xf32, #tpu.memory_space<vmem>>, vector<1x1x16xf32>,
        %mul3A_864 = arith.constant 256 : i32
        %mul3A_865 = arith.muli %scan3A_126, %mul3A_864 : i32
        %add3A_866 = arith.constant 32 : i32
        %add3A_867 = arith.addi %mul3A_865, %add3A_866 : i32
        %swap3A_868 = arith.constant 4 : i32
        %swap3A_869 = arith.index_cast %rem3A_92 : i32 to index
        %swap3A_870 = arith.index_cast %swap3A_868 : i32 to index
        %swap3A_871 = arith.index_cast %add3A_867 : i32 to index
        %swap3A_872 = tpu.vector_load %arg5[%swap3A_869, %swap3A_870, %swap3A_871] {strides = array<i32>} : memref<3x8x4096xf32, #tpu.memory_space<vmem>>, vector<1x1x16xf32>,
        %swap3A_873 = vector.shape_cast %swap3A_872 : vector<1x1x16xf32> to vector<16xf32>
        %swap3A_874 = vector.shape_cast %broadcast_in_dim3A_841 : vector<16xf32> to vector<1x1x16xf32>
        tpu.vector_store %arg5[%swap3A_869, %swap3A_870, %swap3A_871], %swap3A_874 {strides = array<i32>} : memref<3x8x4096xf32, #tpu.memory_space<vmem>>, vector<1x1x16xf32>,
        %mul3A_875 = arith.constant 256 : i32
        %mul3A_876 = arith.muli %scan3A_126, %mul3A_875 : i32
        %add3A_877 = arith.constant 48 : i32
        %add3A_878 = arith.addi %mul3A_876, %add3A_877 : i32
        %swap3A_879 = arith.constant 4 : i32
        %swap3A_880 = arith.index_cast %rem3A_92 : i32 to index
        %swap3A_881 = arith.index_cast %swap3A_879 : i32 to index
        %swap3A_882 = arith.index_cast %add3A_878 : i32 to index
        %swap3A_883 = tpu.vector_load %arg5[%swap3A_880, %swap3A_881, %swap3A_882] {strides = array<i32>} : memref<3x8x4096xf32, #tpu.memory_space<vmem>>, vector<1x1x16xf32>,
        %swap3A_884 = vector.shape_cast %swap3A_883 : vector<1x1x16xf32> to vector<16xf32>
        %swap3A_885 = vector.shape_cast %broadcast_in_dim3A_841 : vector<16xf32> to vector<1x1x16xf32>
        tpu.vector_store %arg5[%swap3A_880, %swap3A_881, %swap3A_882], %swap3A_885 {strides = array<i32>} : memref<3x8x4096xf32, #tpu.memory_space<vmem>>, vector<1x1x16xf32>,
        %mul3A_886 = arith.constant 256 : i32
        %mul3A_887 = arith.muli %scan3A_126, %mul3A_886 : i32
        %add3A_888 = arith.constant 64 : i32
        %add3A_889 = arith.addi %mul3A_887, %add3A_888 : i32
        %swap3A_890 = arith.constant 4 : i32
        %swap3A_891 = arith.index_cast %rem3A_92 : i32 to index
        %swap3A_892 = arith.index_cast %swap3A_890 : i32 to index
        %swap3A_893 = arith.index_cast %add3A_889 : i32 to index
        %swap3A_894 = tpu.vector_load %arg5[%swap3A_891, %swap3A_892, %swap3A_893] {strides = array<i32>} : memref<3x8x4096xf32, #tpu.memory_space<vmem>>, vector<1x1x16xf32>,
        %swap3A_895 = vector.shape_cast %swap3A_894 : vector<1x1x16xf32> to vector<16xf32>
        %swap3A_896 = vector.shape_cast %broadcast_in_dim3A_841 : vector<16xf32> to vector<1x1x16xf32>
        tpu.vector_store %arg5[%swap3A_891, %swap3A_892, %swap3A_893], %swap3A_896 {strides = array<i32>} : memref<3x8x4096xf32, #tpu.memory_space<vmem>>, vector<1x1x16xf32>,
        %mul3A_897 = arith.constant 256 : i32
        %mul3A_898 = arith.muli %scan3A_126, %mul3A_897 : i32
        %add3A_899 = arith.constant 80 : i32
        %add3A_900 = arith.addi %mul3A_898, %add3A_899 : i32
        %swap3A_901 = arith.constant 4 : i32
        %swap3A_902 = arith.index_cast %rem3A_92 : i32 to index
        %swap3A_903 = arith.index_cast %swap3A_901 : i32 to index
        %swap3A_904 = arith.index_cast %add3A_900 : i32 to index
        %swap3A_905 = tpu.vector_load %arg5[%swap3A_902, %swap3A_903, %swap3A_904] {strides = array<i32>} : memref<3x8x4096xf32, #tpu.memory_space<vmem>>, vector<1x1x16xf32>,
        %swap3A_906 = vector.shape_cast %swap3A_905 : vector<1x1x16xf32> to vector<16xf32>
        %swap3A_907 = vector.shape_cast %broadcast_in_dim3A_841 : vector<16xf32> to vector<1x1x16xf32>
        tpu.vector_store %arg5[%swap3A_902, %swap3A_903, %swap3A_904], %swap3A_907 {strides = array<i32>} : memref<3x8x4096xf32, #tpu.memory_space<vmem>>, vector<1x1x16xf32>,
        %mul3A_908 = arith.constant 256 : i32
        %mul3A_909 = arith.muli %scan3A_126, %mul3A_908 : i32
        %add3A_910 = arith.constant 96 : i32
        %add3A_911 = arith.addi %mul3A_909, %add3A_910 : i32
        %swap3A_912 = arith.constant 4 : i32
        %swap3A_913 = arith.index_cast %rem3A_92 : i32 to index
        %swap3A_914 = arith.index_cast %swap3A_912 : i32 to index
        %swap3A_915 = arith.index_cast %add3A_911 : i32 to index
        %swap3A_916 = tpu.vector_load %arg5[%swap3A_913, %swap3A_914, %swap3A_915] {strides = array<i32>} : memref<3x8x4096xf32, #tpu.memory_space<vmem>>, vector<1x1x16xf32>,
        %swap3A_917 = vector.shape_cast %swap3A_916 : vector<1x1x16xf32> to vector<16xf32>
        %swap3A_918 = vector.shape_cast %broadcast_in_dim3A_841 : vector<16xf32> to vector<1x1x16xf32>
        tpu.vector_store %arg5[%swap3A_913, %swap3A_914, %swap3A_915], %swap3A_918 {strides = array<i32>} : memref<3x8x4096xf32, #tpu.memory_space<vmem>>, vector<1x1x16xf32>,
        %mul3A_919 = arith.constant 256 : i32
        %mul3A_920 = arith.muli %scan3A_126, %mul3A_919 : i32
        %add3A_921 = arith.constant 112 : i32
        %add3A_922 = arith.addi %mul3A_920, %add3A_921 : i32
        %swap3A_923 = arith.constant 4 : i32
        %swap3A_924 = arith.index_cast %rem3A_92 : i32 to index
        %swap3A_925 = arith.index_cast %swap3A_923 : i32 to index
        %swap3A_926 = arith.index_cast %add3A_922 : i32 to index
        %swap3A_927 = tpu.vector_load %arg5[%swap3A_924, %swap3A_925, %swap3A_926] {strides = array<i32>} : memref<3x8x4096xf32, #tpu.memory_space<vmem>>, vector<1x1x16xf32>,
        %swap3A_928 = vector.shape_cast %swap3A_927 : vector<1x1x16xf32> to vector<16xf32>
        %swap3A_929 = vector.shape_cast %broadcast_in_dim3A_841 : vector<16xf32> to vector<1x1x16xf32>
        tpu.vector_store %arg5[%swap3A_924, %swap3A_925, %swap3A_926], %swap3A_929 {strides = array<i32>} : memref<3x8x4096xf32, #tpu.memory_space<vmem>>, vector<1x1x16xf32>,
        %mul3A_930 = arith.constant 256 : i32
        %mul3A_931 = arith.muli %scan3A_126, %mul3A_930 : i32
        %add3A_932 = arith.constant 128 : i32
        %add3A_933 = arith.addi %mul3A_931, %add3A_932 : i32
        %swap3A_934 = arith.constant 4 : i32
        %swap3A_935 = arith.index_cast %rem3A_92 : i32 to index
        %swap3A_936 = arith.index_cast %swap3A_934 : i32 to index
        %swap3A_937 = arith.index_cast %add3A_933 : i32 to index
        %swap3A_938 = tpu.vector_load %arg5[%swap3A_935, %swap3A_936, %swap3A_937] {strides = array<i32>} : memref<3x8x4096xf32, #tpu.memory_space<vmem>>, vector<1x1x16xf32>,
        %swap3A_939 = vector.shape_cast %swap3A_938 : vector<1x1x16xf32> to vector<16xf32>
        %swap3A_940 = vector.shape_cast %broadcast_in_dim3A_841 : vector<16xf32> to vector<1x1x16xf32>
        tpu.vector_store %arg5[%swap3A_935, %swap3A_936, %swap3A_937], %swap3A_940 {strides = array<i32>} : memref<3x8x4096xf32, #tpu.memory_space<vmem>>, vector<1x1x16xf32>,
        %mul3A_941 = arith.constant 256 : i32
        %mul3A_942 = arith.muli %scan3A_126, %mul3A_941 : i32
        %add3A_943 = arith.constant 144 : i32
        %add3A_944 = arith.addi %mul3A_942, %add3A_943 : i32
        %swap3A_945 = arith.constant 4 : i32
        %swap3A_946 = arith.index_cast %rem3A_92 : i32 to index
        %swap3A_947 = arith.index_cast %swap3A_945 : i32 to index
        %swap3A_948 = arith.index_cast %add3A_944 : i32 to index
        %swap3A_949 = tpu.vector_load %arg5[%swap3A_946, %swap3A_947, %swap3A_948] {strides = array<i32>} : memref<3x8x4096xf32, #tpu.memory_space<vmem>>, vector<1x1x16xf32>,
        %swap3A_950 = vector.shape_cast %swap3A_949 : vector<1x1x16xf32> to vector<16xf32>
        %swap3A_951 = vector.shape_cast %broadcast_in_dim3A_841 : vector<16xf32> to vector<1x1x16xf32>
        tpu.vector_store %arg5[%swap3A_946, %swap3A_947, %swap3A_948], %swap3A_951 {strides = array<i32>} : memref<3x8x4096xf32, #tpu.memory_space<vmem>>, vector<1x1x16xf32>,
        %mul3A_952 = arith.constant 256 : i32
        %mul3A_953 = arith.muli %scan3A_126, %mul3A_952 : i32
        %add3A_954 = arith.constant 160 : i32
        %add3A_955 = arith.addi %mul3A_953, %add3A_954 : i32
        %swap3A_956 = arith.constant 4 : i32
        %swap3A_957 = arith.index_cast %rem3A_92 : i32 to index
        %swap3A_958 = arith.index_cast %swap3A_956 : i32 to index
        %swap3A_959 = arith.index_cast %add3A_955 : i32 to index
        %swap3A_960 = tpu.vector_load %arg5[%swap3A_957, %swap3A_958, %swap3A_959] {strides = array<i32>} : memref<3x8x4096xf32, #tpu.memory_space<vmem>>, vector<1x1x16xf32>,
        %swap3A_961 = vector.shape_cast %swap3A_960 : vector<1x1x16xf32> to vector<16xf32>
        %swap3A_962 = vector.shape_cast %broadcast_in_dim3A_841 : vector<16xf32> to vector<1x1x16xf32>
        tpu.vector_store %arg5[%swap3A_957, %swap3A_958, %swap3A_959], %swap3A_962 {strides = array<i32>} : memref<3x8x4096xf32, #tpu.memory_space<vmem>>, vector<1x1x16xf32>,
        %mul3A_963 = arith.constant 256 : i32
        %mul3A_964 = arith.muli %scan3A_126, %mul3A_963 : i32
        %add3A_965 = arith.constant 176 : i32
        %add3A_966 = arith.addi %mul3A_964, %add3A_965 : i32
        %swap3A_967 = arith.constant 4 : i32
        %swap3A_968 = arith.index_cast %rem3A_92 : i32 to index
        %swap3A_969 = arith.index_cast %swap3A_967 : i32 to index
        %swap3A_970 = arith.index_cast %add3A_966 : i32 to index
        %swap3A_971 = tpu.vector_load %arg5[%swap3A_968, %swap3A_969, %swap3A_970] {strides = array<i32>} : memref<3x8x4096xf32, #tpu.memory_space<vmem>>, vector<1x1x16xf32>,
        %swap3A_972 = vector.shape_cast %swap3A_971 : vector<1x1x16xf32> to vector<16xf32>
        %swap3A_973 = vector.shape_cast %broadcast_in_dim3A_841 : vector<16xf32> to vector<1x1x16xf32>
        tpu.vector_store %arg5[%swap3A_968, %swap3A_969, %swap3A_970], %swap3A_973 {strides = array<i32>} : memref<3x8x4096xf32, #tpu.memory_space<vmem>>, vector<1x1x16xf32>,
        %mul3A_974 = arith.constant 256 : i32
        %mul3A_975 = arith.muli %scan3A_126, %mul3A_974 : i32
        %add3A_976 = arith.constant 192 : i32
        %add3A_977 = arith.addi %mul3A_975, %add3A_976 : i32
        %swap3A_978 = arith.constant 4 : i32
        %swap3A_979 = arith.index_cast %rem3A_92 : i32 to index
        %swap3A_980 = arith.index_cast %swap3A_978 : i32 to index
        %swap3A_981 = arith.index_cast %add3A_977 : i32 to index
        %swap3A_982 = tpu.vector_load %arg5[%swap3A_979, %swap3A_980, %swap3A_981] {strides = array<i32>} : memref<3x8x4096xf32, #tpu.memory_space<vmem>>, vector<1x1x16xf32>,
        %swap3A_983 = vector.shape_cast %swap3A_982 : vector<1x1x16xf32> to vector<16xf32>
        %swap3A_984 = vector.shape_cast %broadcast_in_dim3A_841 : vector<16xf32> to vector<1x1x16xf32>
        tpu.vector_store %arg5[%swap3A_979, %swap3A_980, %swap3A_981], %swap3A_984 {strides = array<i32>} : memref<3x8x4096xf32, #tpu.memory_space<vmem>>, vector<1x1x16xf32>,
        %mul3A_985 = arith.constant 256 : i32
        %mul3A_986 = arith.muli %scan3A_126, %mul3A_985 : i32
        %add3A_987 = arith.constant 208 : i32
        %add3A_988 = arith.addi %mul3A_986, %add3A_987 : i32
        %swap3A_989 = arith.constant 4 : i32
        %swap3A_990 = arith.index_cast %rem3A_92 : i32 to index
        %swap3A_991 = arith.index_cast %swap3A_989 : i32 to index
        %swap3A_992 = arith.index_cast %add3A_988 : i32 to index
        %swap3A_993 = tpu.vector_load %arg5[%swap3A_990, %swap3A_991, %swap3A_992] {strides = array<i32>} : memref<3x8x4096xf32, #tpu.memory_space<vmem>>, vector<1x1x16xf32>,
        %swap3A_994 = vector.shape_cast %swap3A_993 : vector<1x1x16xf32> to vector<16xf32>
        %swap3A_995 = vector.shape_cast %broadcast_in_dim3A_841 : vector<16xf32> to vector<1x1x16xf32>
        tpu.vector_store %arg5[%swap3A_990, %swap3A_991, %swap3A_992], %swap3A_995 {strides = array<i32>} : memref<3x8x4096xf32, #tpu.memory_space<vmem>>, vector<1x1x16xf32>,
        %mul3A_996 = arith.constant 256 : i32
        %mul3A_997 = arith.muli %scan3A_126, %mul3A_996 : i32
        %add3A_998 = arith.constant 224 : i32
        %add3A_999 = arith.addi %mul3A_997, %add3A_998 : i32
        %swap3A_1000 = arith.constant 4 : i32
        %swap3A_1001 = arith.index_cast %rem3A_92 : i32 to index
        %swap3A_1002 = arith.index_cast %swap3A_1000 : i32 to index
        %swap3A_1003 = arith.index_cast %add3A_999 : i32 to index
        %swap3A_1004 = tpu.vector_load %arg5[%swap3A_1001, %swap3A_1002, %swap3A_1003] {strides = array<i32>} : memref<3x8x4096xf32, #tpu.memory_space<vmem>>, vector<1x1x16xf32>,
        %swap3A_1005 = vector.shape_cast %swap3A_1004 : vector<1x1x16xf32> to vector<16xf32>
        %swap3A_1006 = vector.shape_cast %broadcast_in_dim3A_841 : vector<16xf32> to vector<1x1x16xf32>
        tpu.vector_store %arg5[%swap3A_1001, %swap3A_1002, %swap3A_1003], %swap3A_1006 {strides = array<i32>} : memref<3x8x4096xf32, #tpu.memory_space<vmem>>, vector<1x1x16xf32>,
        %mul3A_1007 = arith.constant 256 : i32
        %mul3A_1008 = arith.muli %scan3A_126, %mul3A_1007 : i32
        %add3A_1009 = arith.constant 240 : i32
        %add3A_1010 = arith.addi %mul3A_1008, %add3A_1009 : i32
        %swap3A_1011 = arith.constant 4 : i32
        %swap3A_1012 = arith.index_cast %rem3A_92 : i32 to index
        %swap3A_1013 = arith.index_cast %swap3A_1011 : i32 to index
        %swap3A_1014 = arith.index_cast %add3A_1010 : i32 to index
        %swap3A_1015 = tpu.vector_load %arg5[%swap3A_1012, %swap3A_1013, %swap3A_1014] {strides = array<i32>} : memref<3x8x4096xf32, #tpu.memory_space<vmem>>, vector<1x1x16xf32>,
        %swap3A_1016 = vector.shape_cast %swap3A_1015 : vector<1x1x16xf32> to vector<16xf32>
        %swap3A_1017 = vector.shape_cast %broadcast_in_dim3A_841 : vector<16xf32> to vector<1x1x16xf32>
        tpu.vector_store %arg5[%swap3A_1012, %swap3A_1013, %swap3A_1014], %swap3A_1017 {strides = array<i32>} : memref<3x8x4096xf32, #tpu.memory_space<vmem>>, vector<1x1x16xf32>,
        %slice3A_1018 = vector.extract_strided_slice %get3A_98 {offsets = [5], sizes = [1], strides = [1]} : vector<16xf32> to vector<1xf32>
        %squeeze3A_1019 = vector.extract %slice3A_1018[0] : f32 from vector<1xf32>
        %broadcast_in_dim3A_1020 = vector.broadcast %squeeze3A_1019 : f32 to vector<16xf32>
        %mul3A_1021 = arith.constant 256 : i32
        %mul3A_1022 = arith.muli %scan3A_126, %mul3A_1021 : i32
        %add3A_1023 = arith.constant 0 : i32
        %add3A_1024 = arith.addi %mul3A_1022, %add3A_1023 : i32
        %swap3A_1025 = arith.constant 5 : i32
        %swap3A_1026 = arith.index_cast %rem3A_92 : i32 to index
        %swap3A_1027 = arith.index_cast %swap3A_1025 : i32 to index
        %swap3A_1028 = arith.index_cast %add3A_1024 : i32 to index
        %swap3A_1029 = tpu.vector_load %arg5[%swap3A_1026, %swap3A_1027, %swap3A_1028] {strides = array<i32>} : memref<3x8x4096xf32, #tpu.memory_space<vmem>>, vector<1x1x16xf32>,
        %swap3A_1030 = vector.shape_cast %swap3A_1029 : vector<1x1x16xf32> to vector<16xf32>
        %swap3A_1031 = vector.shape_cast %broadcast_in_dim3A_1020 : vector<16xf32> to vector<1x1x16xf32>
        tpu.vector_store %arg5[%swap3A_1026, %swap3A_1027, %swap3A_1028], %swap3A_1031 {strides = array<i32>} : memref<3x8x4096xf32, #tpu.memory_space<vmem>>, vector<1x1x16xf32>,
        %mul3A_1032 = arith.constant 256 : i32
        %mul3A_1033 = arith.muli %scan3A_126, %mul3A_1032 : i32
        %add3A_1034 = arith.constant 16 : i32
        %add3A_1035 = arith.addi %mul3A_1033, %add3A_1034 : i32
        %swap3A_1036 = arith.constant 5 : i32
        %swap3A_1037 = arith.index_cast %rem3A_92 : i32 to index
        %swap3A_1038 = arith.index_cast %swap3A_1036 : i32 to index
        %swap3A_1039 = arith.index_cast %add3A_1035 : i32 to index
        %swap3A_1040 = tpu.vector_load %arg5[%swap3A_1037, %swap3A_1038, %swap3A_1039] {strides = array<i32>} : memref<3x8x4096xf32, #tpu.memory_space<vmem>>, vector<1x1x16xf32>,
        %swap3A_1041 = vector.shape_cast %swap3A_1040 : vector<1x1x16xf32> to vector<16xf32>
        %swap3A_1042 = vector.shape_cast %broadcast_in_dim3A_1020 : vector<16xf32> to vector<1x1x16xf32>
        tpu.vector_store %arg5[%swap3A_1037, %swap3A_1038, %swap3A_1039], %swap3A_1042 {strides = array<i32>} : memref<3x8x4096xf32, #tpu.memory_space<vmem>>, vector<1x1x16xf32>,
        %mul3A_1043 = arith.constant 256 : i32
        %mul3A_1044 = arith.muli %scan3A_126, %mul3A_1043 : i32
        %add3A_1045 = arith.constant 32 : i32
        %add3A_1046 = arith.addi %mul3A_1044, %add3A_1045 : i32
        %swap3A_1047 = arith.constant 5 : i32
        %swap3A_1048 = arith.index_cast %rem3A_92 : i32 to index
        %swap3A_1049 = arith.index_cast %swap3A_1047 : i32 to index
        %swap3A_1050 = arith.index_cast %add3A_1046 : i32 to index
        %swap3A_1051 = tpu.vector_load %arg5[%swap3A_1048, %swap3A_1049, %swap3A_1050] {strides = array<i32>} : memref<3x8x4096xf32, #tpu.memory_space<vmem>>, vector<1x1x16xf32>,
        %swap3A_1052 = vector.shape_cast %swap3A_1051 : vector<1x1x16xf32> to vector<16xf32>
        %swap3A_1053 = vector.shape_cast %broadcast_in_dim3A_1020 : vector<16xf32> to vector<1x1x16xf32>
        tpu.vector_store %arg5[%swap3A_1048, %swap3A_1049, %swap3A_1050], %swap3A_1053 {strides = array<i32>} : memref<3x8x4096xf32, #tpu.memory_space<vmem>>, vector<1x1x16xf32>,
        %mul3A_1054 = arith.constant 256 : i32
        %mul3A_1055 = arith.muli %scan3A_126, %mul3A_1054 : i32
        %add3A_1056 = arith.constant 48 : i32
        %add3A_1057 = arith.addi %mul3A_1055, %add3A_1056 : i32
        %swap3A_1058 = arith.constant 5 : i32
        %swap3A_1059 = arith.index_cast %rem3A_92 : i32 to index
        %swap3A_1060 = arith.index_cast %swap3A_1058 : i32 to index
        %swap3A_1061 = arith.index_cast %add3A_1057 : i32 to index
        %swap3A_1062 = tpu.vector_load %arg5[%swap3A_1059, %swap3A_1060, %swap3A_1061] {strides = array<i32>} : memref<3x8x4096xf32, #tpu.memory_space<vmem>>, vector<1x1x16xf32>,
        %swap3A_1063 = vector.shape_cast %swap3A_1062 : vector<1x1x16xf32> to vector<16xf32>
        %swap3A_1064 = vector.shape_cast %broadcast_in_dim3A_1020 : vector<16xf32> to vector<1x1x16xf32>
        tpu.vector_store %arg5[%swap3A_1059, %swap3A_1060, %swap3A_1061], %swap3A_1064 {strides = array<i32>} : memref<3x8x4096xf32, #tpu.memory_space<vmem>>, vector<1x1x16xf32>,
        %mul3A_1065 = arith.constant 256 : i32
        %mul3A_1066 = arith.muli %scan3A_126, %mul3A_1065 : i32
        %add3A_1067 = arith.constant 64 : i32
        %add3A_1068 = arith.addi %mul3A_1066, %add3A_1067 : i32
        %swap3A_1069 = arith.constant 5 : i32
        %swap3A_1070 = arith.index_cast %rem3A_92 : i32 to index
        %swap3A_1071 = arith.index_cast %swap3A_1069 : i32 to index
        %swap3A_1072 = arith.index_cast %add3A_1068 : i32 to index
        %swap3A_1073 = tpu.vector_load %arg5[%swap3A_1070, %swap3A_1071, %swap3A_1072] {strides = array<i32>} : memref<3x8x4096xf32, #tpu.memory_space<vmem>>, vector<1x1x16xf32>,
        %swap3A_1074 = vector.shape_cast %swap3A_1073 : vector<1x1x16xf32> to vector<16xf32>
        %swap3A_1075 = vector.shape_cast %broadcast_in_dim3A_1020 : vector<16xf32> to vector<1x1x16xf32>
        tpu.vector_store %arg5[%swap3A_1070, %swap3A_1071, %swap3A_1072], %swap3A_1075 {strides = array<i32>} : memref<3x8x4096xf32, #tpu.memory_space<vmem>>, vector<1x1x16xf32>,
        %mul3A_1076 = arith.constant 256 : i32
        %mul3A_1077 = arith.muli %scan3A_126, %mul3A_1076 : i32
        %add3A_1078 = arith.constant 80 : i32
        %add3A_1079 = arith.addi %mul3A_1077, %add3A_1078 : i32
        %swap3A_1080 = arith.constant 5 : i32
        %swap3A_1081 = arith.index_cast %rem3A_92 : i32 to index
        %swap3A_1082 = arith.index_cast %swap3A_1080 : i32 to index
        %swap3A_1083 = arith.index_cast %add3A_1079 : i32 to index
        %swap3A_1084 = tpu.vector_load %arg5[%swap3A_1081, %swap3A_1082, %swap3A_1083] {strides = array<i32>} : memref<3x8x4096xf32, #tpu.memory_space<vmem>>, vector<1x1x16xf32>,
        %swap3A_1085 = vector.shape_cast %swap3A_1084 : vector<1x1x16xf32> to vector<16xf32>
        %swap3A_1086 = vector.shape_cast %broadcast_in_dim3A_1020 : vector<16xf32> to vector<1x1x16xf32>
        tpu.vector_store %arg5[%swap3A_1081, %swap3A_1082, %swap3A_1083], %swap3A_1086 {strides = array<i32>} : memref<3x8x4096xf32, #tpu.memory_space<vmem>>, vector<1x1x16xf32>,
        %mul3A_1087 = arith.constant 256 : i32
        %mul3A_1088 = arith.muli %scan3A_126, %mul3A_1087 : i32
        %add3A_1089 = arith.constant 96 : i32
        %add3A_1090 = arith.addi %mul3A_1088, %add3A_1089 : i32
        %swap3A_1091 = arith.constant 5 : i32
        %swap3A_1092 = arith.index_cast %rem3A_92 : i32 to index
        %swap3A_1093 = arith.index_cast %swap3A_1091 : i32 to index
        %swap3A_1094 = arith.index_cast %add3A_1090 : i32 to index
        %swap3A_1095 = tpu.vector_load %arg5[%swap3A_1092, %swap3A_1093, %swap3A_1094] {strides = array<i32>} : memref<3x8x4096xf32, #tpu.memory_space<vmem>>, vector<1x1x16xf32>,
        %swap3A_1096 = vector.shape_cast %swap3A_1095 : vector<1x1x16xf32> to vector<16xf32>
        %swap3A_1097 = vector.shape_cast %broadcast_in_dim3A_1020 : vector<16xf32> to vector<1x1x16xf32>
        tpu.vector_store %arg5[%swap3A_1092, %swap3A_1093, %swap3A_1094], %swap3A_1097 {strides = array<i32>} : memref<3x8x4096xf32, #tpu.memory_space<vmem>>, vector<1x1x16xf32>,
        %mul3A_1098 = arith.constant 256 : i32
        %mul3A_1099 = arith.muli %scan3A_126, %mul3A_1098 : i32
        %add3A_1100 = arith.constant 112 : i32
        %add3A_1101 = arith.addi %mul3A_1099, %add3A_1100 : i32
        %swap3A_1102 = arith.constant 5 : i32
        %swap3A_1103 = arith.index_cast %rem3A_92 : i32 to index
        %swap3A_1104 = arith.index_cast %swap3A_1102 : i32 to index
        %swap3A_1105 = arith.index_cast %add3A_1101 : i32 to index
        %swap3A_1106 = tpu.vector_load %arg5[%swap3A_1103, %swap3A_1104, %swap3A_1105] {strides = array<i32>} : memref<3x8x4096xf32, #tpu.memory_space<vmem>>, vector<1x1x16xf32>,
        %swap3A_1107 = vector.shape_cast %swap3A_1106 : vector<1x1x16xf32> to vector<16xf32>
        %swap3A_1108 = vector.shape_cast %broadcast_in_dim3A_1020 : vector<16xf32> to vector<1x1x16xf32>
        tpu.vector_store %arg5[%swap3A_1103, %swap3A_1104, %swap3A_1105], %swap3A_1108 {strides = array<i32>} : memref<3x8x4096xf32, #tpu.memory_space<vmem>>, vector<1x1x16xf32>,
        %mul3A_1109 = arith.constant 256 : i32
        %mul3A_1110 = arith.muli %scan3A_126, %mul3A_1109 : i32
        %add3A_1111 = arith.constant 128 : i32
        %add3A_1112 = arith.addi %mul3A_1110, %add3A_1111 : i32
        %swap3A_1113 = arith.constant 5 : i32
        %swap3A_1114 = arith.index_cast %rem3A_92 : i32 to index
        %swap3A_1115 = arith.index_cast %swap3A_1113 : i32 to index
        %swap3A_1116 = arith.index_cast %add3A_1112 : i32 to index
        %swap3A_1117 = tpu.vector_load %arg5[%swap3A_1114, %swap3A_1115, %swap3A_1116] {strides = array<i32>} : memref<3x8x4096xf32, #tpu.memory_space<vmem>>, vector<1x1x16xf32>,
        %swap3A_1118 = vector.shape_cast %swap3A_1117 : vector<1x1x16xf32> to vector<16xf32>
        %swap3A_1119 = vector.shape_cast %broadcast_in_dim3A_1020 : vector<16xf32> to vector<1x1x16xf32>
        tpu.vector_store %arg5[%swap3A_1114, %swap3A_1115, %swap3A_1116], %swap3A_1119 {strides = array<i32>} : memref<3x8x4096xf32, #tpu.memory_space<vmem>>, vector<1x1x16xf32>,
        %mul3A_1120 = arith.constant 256 : i32
        %mul3A_1121 = arith.muli %scan3A_126, %mul3A_1120 : i32
        %add3A_1122 = arith.constant 144 : i32
        %add3A_1123 = arith.addi %mul3A_1121, %add3A_1122 : i32
        %swap3A_1124 = arith.constant 5 : i32
        %swap3A_1125 = arith.index_cast %rem3A_92 : i32 to index
        %swap3A_1126 = arith.index_cast %swap3A_1124 : i32 to index
        %swap3A_1127 = arith.index_cast %add3A_1123 : i32 to index
        %swap3A_1128 = tpu.vector_load %arg5[%swap3A_1125, %swap3A_1126, %swap3A_1127] {strides = array<i32>} : memref<3x8x4096xf32, #tpu.memory_space<vmem>>, vector<1x1x16xf32>,
        %swap3A_1129 = vector.shape_cast %swap3A_1128 : vector<1x1x16xf32> to vector<16xf32>
        %swap3A_1130 = vector.shape_cast %broadcast_in_dim3A_1020 : vector<16xf32> to vector<1x1x16xf32>
        tpu.vector_store %arg5[%swap3A_1125, %swap3A_1126, %swap3A_1127], %swap3A_1130 {strides = array<i32>} : memref<3x8x4096xf32, #tpu.memory_space<vmem>>, vector<1x1x16xf32>,
        %mul3A_1131 = arith.constant 256 : i32
        %mul3A_1132 = arith.muli %scan3A_126, %mul3A_1131 : i32
        %add3A_1133 = arith.constant 160 : i32
        %add3A_1134 = arith.addi %mul3A_1132, %add3A_1133 : i32
        %swap3A_1135 = arith.constant 5 : i32
        %swap3A_1136 = arith.index_cast %rem3A_92 : i32 to index
        %swap3A_1137 = arith.index_cast %swap3A_1135 : i32 to index
        %swap3A_1138 = arith.index_cast %add3A_1134 : i32 to index
        %swap3A_1139 = tpu.vector_load %arg5[%swap3A_1136, %swap3A_1137, %swap3A_1138] {strides = array<i32>} : memref<3x8x4096xf32, #tpu.memory_space<vmem>>, vector<1x1x16xf32>,
        %swap3A_1140 = vector.shape_cast %swap3A_1139 : vector<1x1x16xf32> to vector<16xf32>
        %swap3A_1141 = vector.shape_cast %broadcast_in_dim3A_1020 : vector<16xf32> to vector<1x1x16xf32>
        tpu.vector_store %arg5[%swap3A_1136, %swap3A_1137, %swap3A_1138], %swap3A_1141 {strides = array<i32>} : memref<3x8x4096xf32, #tpu.memory_space<vmem>>, vector<1x1x16xf32>,
        %mul3A_1142 = arith.constant 256 : i32
        %mul3A_1143 = arith.muli %scan3A_126, %mul3A_1142 : i32
        %add3A_1144 = arith.constant 176 : i32
        %add3A_1145 = arith.addi %mul3A_1143, %add3A_1144 : i32
        %swap3A_1146 = arith.constant 5 : i32
        %swap3A_1147 = arith.index_cast %rem3A_92 : i32 to index
        %swap3A_1148 = arith.index_cast %swap3A_1146 : i32 to index
        %swap3A_1149 = arith.index_cast %add3A_1145 : i32 to index
        %swap3A_1150 = tpu.vector_load %arg5[%swap3A_1147, %swap3A_1148, %swap3A_1149] {strides = array<i32>} : memref<3x8x4096xf32, #tpu.memory_space<vmem>>, vector<1x1x16xf32>,
        %swap3A_1151 = vector.shape_cast %swap3A_1150 : vector<1x1x16xf32> to vector<16xf32>
        %swap3A_1152 = vector.shape_cast %broadcast_in_dim3A_1020 : vector<16xf32> to vector<1x1x16xf32>
        tpu.vector_store %arg5[%swap3A_1147, %swap3A_1148, %swap3A_1149], %swap3A_1152 {strides = array<i32>} : memref<3x8x4096xf32, #tpu.memory_space<vmem>>, vector<1x1x16xf32>,
        %mul3A_1153 = arith.constant 256 : i32
        %mul3A_1154 = arith.muli %scan3A_126, %mul3A_1153 : i32
        %add3A_1155 = arith.constant 192 : i32
        %add3A_1156 = arith.addi %mul3A_1154, %add3A_1155 : i32
        %swap3A_1157 = arith.constant 5 : i32
        %swap3A_1158 = arith.index_cast %rem3A_92 : i32 to index
        %swap3A_1159 = arith.index_cast %swap3A_1157 : i32 to index
        %swap3A_1160 = arith.index_cast %add3A_1156 : i32 to index
        %swap3A_1161 = tpu.vector_load %arg5[%swap3A_1158, %swap3A_1159, %swap3A_1160] {strides = array<i32>} : memref<3x8x4096xf32, #tpu.memory_space<vmem>>, vector<1x1x16xf32>,
        %swap3A_1162 = vector.shape_cast %swap3A_1161 : vector<1x1x16xf32> to vector<16xf32>
        %swap3A_1163 = vector.shape_cast %broadcast_in_dim3A_1020 : vector<16xf32> to vector<1x1x16xf32>
        tpu.vector_store %arg5[%swap3A_1158, %swap3A_1159, %swap3A_1160], %swap3A_1163 {strides = array<i32>} : memref<3x8x4096xf32, #tpu.memory_space<vmem>>, vector<1x1x16xf32>,
        %mul3A_1164 = arith.constant 256 : i32
        %mul3A_1165 = arith.muli %scan3A_126, %mul3A_1164 : i32
        %add3A_1166 = arith.constant 208 : i32
        %add3A_1167 = arith.addi %mul3A_1165, %add3A_1166 : i32
        %swap3A_1168 = arith.constant 5 : i32
        %swap3A_1169 = arith.index_cast %rem3A_92 : i32 to index
        %swap3A_1170 = arith.index_cast %swap3A_1168 : i32 to index
        %swap3A_1171 = arith.index_cast %add3A_1167 : i32 to index
        %swap3A_1172 = tpu.vector_load %arg5[%swap3A_1169, %swap3A_1170, %swap3A_1171] {strides = array<i32>} : memref<3x8x4096xf32, #tpu.memory_space<vmem>>, vector<1x1x16xf32>,
        %swap3A_1173 = vector.shape_cast %swap3A_1172 : vector<1x1x16xf32> to vector<16xf32>
        %swap3A_1174 = vector.shape_cast %broadcast_in_dim3A_1020 : vector<16xf32> to vector<1x1x16xf32>
        tpu.vector_store %arg5[%swap3A_1169, %swap3A_1170, %swap3A_1171], %swap3A_1174 {strides = array<i32>} : memref<3x8x4096xf32, #tpu.memory_space<vmem>>, vector<1x1x16xf32>,
        %mul3A_1175 = arith.constant 256 : i32
        %mul3A_1176 = arith.muli %scan3A_126, %mul3A_1175 : i32
        %add3A_1177 = arith.constant 224 : i32
        %add3A_1178 = arith.addi %mul3A_1176, %add3A_1177 : i32
        %swap3A_1179 = arith.constant 5 : i32
        %swap3A_1180 = arith.index_cast %rem3A_92 : i32 to index
        %swap3A_1181 = arith.index_cast %swap3A_1179 : i32 to index
        %swap3A_1182 = arith.index_cast %add3A_1178 : i32 to index
        %swap3A_1183 = tpu.vector_load %arg5[%swap3A_1180, %swap3A_1181, %swap3A_1182] {strides = array<i32>} : memref<3x8x4096xf32, #tpu.memory_space<vmem>>, vector<1x1x16xf32>,
        %swap3A_1184 = vector.shape_cast %swap3A_1183 : vector<1x1x16xf32> to vector<16xf32>
        %swap3A_1185 = vector.shape_cast %broadcast_in_dim3A_1020 : vector<16xf32> to vector<1x1x16xf32>
        tpu.vector_store %arg5[%swap3A_1180, %swap3A_1181, %swap3A_1182], %swap3A_1185 {strides = array<i32>} : memref<3x8x4096xf32, #tpu.memory_space<vmem>>, vector<1x1x16xf32>,
        %mul3A_1186 = arith.constant 256 : i32
        %mul3A_1187 = arith.muli %scan3A_126, %mul3A_1186 : i32
        %add3A_1188 = arith.constant 240 : i32
        %add3A_1189 = arith.addi %mul3A_1187, %add3A_1188 : i32
        %swap3A_1190 = arith.constant 5 : i32
        %swap3A_1191 = arith.index_cast %rem3A_92 : i32 to index
        %swap3A_1192 = arith.index_cast %swap3A_1190 : i32 to index
        %swap3A_1193 = arith.index_cast %add3A_1189 : i32 to index
        %swap3A_1194 = tpu.vector_load %arg5[%swap3A_1191, %swap3A_1192, %swap3A_1193] {strides = array<i32>} : memref<3x8x4096xf32, #tpu.memory_space<vmem>>, vector<1x1x16xf32>,
        %swap3A_1195 = vector.shape_cast %swap3A_1194 : vector<1x1x16xf32> to vector<16xf32>
        %swap3A_1196 = vector.shape_cast %broadcast_in_dim3A_1020 : vector<16xf32> to vector<1x1x16xf32>
        tpu.vector_store %arg5[%swap3A_1191, %swap3A_1192, %swap3A_1193], %swap3A_1196 {strides = array<i32>} : memref<3x8x4096xf32, #tpu.memory_space<vmem>>, vector<1x1x16xf32>,
        %slice3A_1197 = vector.extract_strided_slice %get3A_98 {offsets = [6], sizes = [1], strides = [1]} : vector<16xf32> to vector<1xf32>
        %squeeze3A_1198 = vector.extract %slice3A_1197[0] : f32 from vector<1xf32>
        %broadcast_in_dim3A_1199 = vector.broadcast %squeeze3A_1198 : f32 to vector<16xf32>
        %mul3A_1200 = arith.constant 256 : i32
        %mul3A_1201 = arith.muli %scan3A_126, %mul3A_1200 : i32
        %add3A_1202 = arith.constant 0 : i32
        %add3A_1203 = arith.addi %mul3A_1201, %add3A_1202 : i32
        %swap3A_1204 = arith.constant 6 : i32
        %swap3A_1205 = arith.index_cast %rem3A_92 : i32 to index
        %swap3A_1206 = arith.index_cast %swap3A_1204 : i32 to index
        %swap3A_1207 = arith.index_cast %add3A_1203 : i32 to index
        %swap3A_1208 = tpu.vector_load %arg5[%swap3A_1205, %swap3A_1206, %swap3A_1207] {strides = array<i32>} : memref<3x8x4096xf32, #tpu.memory_space<vmem>>, vector<1x1x16xf32>,
        %swap3A_1209 = vector.shape_cast %swap3A_1208 : vector<1x1x16xf32> to vector<16xf32>
        %swap3A_1210 = vector.shape_cast %broadcast_in_dim3A_1199 : vector<16xf32> to vector<1x1x16xf32>
        tpu.vector_store %arg5[%swap3A_1205, %swap3A_1206, %swap3A_1207], %swap3A_1210 {strides = array<i32>} : memref<3x8x4096xf32, #tpu.memory_space<vmem>>, vector<1x1x16xf32>,
        %mul3A_1211 = arith.constant 256 : i32
        %mul3A_1212 = arith.muli %scan3A_126, %mul3A_1211 : i32
        %add3A_1213 = arith.constant 16 : i32
        %add3A_1214 = arith.addi %mul3A_1212, %add3A_1213 : i32
        %swap3A_1215 = arith.constant 6 : i32
        %swap3A_1216 = arith.index_cast %rem3A_92 : i32 to index
        %swap3A_1217 = arith.index_cast %swap3A_1215 : i32 to index
        %swap3A_1218 = arith.index_cast %add3A_1214 : i32 to index
        %swap3A_1219 = tpu.vector_load %arg5[%swap3A_1216, %swap3A_1217, %swap3A_1218] {strides = array<i32>} : memref<3x8x4096xf32, #tpu.memory_space<vmem>>, vector<1x1x16xf32>,
        %swap3A_1220 = vector.shape_cast %swap3A_1219 : vector<1x1x16xf32> to vector<16xf32>
        %swap3A_1221 = vector.shape_cast %broadcast_in_dim3A_1199 : vector<16xf32> to vector<1x1x16xf32>
        tpu.vector_store %arg5[%swap3A_1216, %swap3A_1217, %swap3A_1218], %swap3A_1221 {strides = array<i32>} : memref<3x8x4096xf32, #tpu.memory_space<vmem>>, vector<1x1x16xf32>,
        %mul3A_1222 = arith.constant 256 : i32
        %mul3A_1223 = arith.muli %scan3A_126, %mul3A_1222 : i32
        %add3A_1224 = arith.constant 32 : i32
        %add3A_1225 = arith.addi %mul3A_1223, %add3A_1224 : i32
        %swap3A_1226 = arith.constant 6 : i32
        %swap3A_1227 = arith.index_cast %rem3A_92 : i32 to index
        %swap3A_1228 = arith.index_cast %swap3A_1226 : i32 to index
        %swap3A_1229 = arith.index_cast %add3A_1225 : i32 to index
        %swap3A_1230 = tpu.vector_load %arg5[%swap3A_1227, %swap3A_1228, %swap3A_1229] {strides = array<i32>} : memref<3x8x4096xf32, #tpu.memory_space<vmem>>, vector<1x1x16xf32>,
        %swap3A_1231 = vector.shape_cast %swap3A_1230 : vector<1x1x16xf32> to vector<16xf32>
        %swap3A_1232 = vector.shape_cast %broadcast_in_dim3A_1199 : vector<16xf32> to vector<1x1x16xf32>
        tpu.vector_store %arg5[%swap3A_1227, %swap3A_1228, %swap3A_1229], %swap3A_1232 {strides = array<i32>} : memref<3x8x4096xf32, #tpu.memory_space<vmem>>, vector<1x1x16xf32>,
        %mul3A_1233 = arith.constant 256 : i32
        %mul3A_1234 = arith.muli %scan3A_126, %mul3A_1233 : i32
        %add3A_1235 = arith.constant 48 : i32
        %add3A_1236 = arith.addi %mul3A_1234, %add3A_1235 : i32
        %swap3A_1237 = arith.constant 6 : i32
        %swap3A_1238 = arith.index_cast %rem3A_92 : i32 to index
        %swap3A_1239 = arith.index_cast %swap3A_1237 : i32 to index
        %swap3A_1240 = arith.index_cast %add3A_1236 : i32 to index
        %swap3A_1241 = tpu.vector_load %arg5[%swap3A_1238, %swap3A_1239, %swap3A_1240] {strides = array<i32>} : memref<3x8x4096xf32, #tpu.memory_space<vmem>>, vector<1x1x16xf32>,
        %swap3A_1242 = vector.shape_cast %swap3A_1241 : vector<1x1x16xf32> to vector<16xf32>
        %swap3A_1243 = vector.shape_cast %broadcast_in_dim3A_1199 : vector<16xf32> to vector<1x1x16xf32>
        tpu.vector_store %arg5[%swap3A_1238, %swap3A_1239, %swap3A_1240], %swap3A_1243 {strides = array<i32>} : memref<3x8x4096xf32, #tpu.memory_space<vmem>>, vector<1x1x16xf32>,
        %mul3A_1244 = arith.constant 256 : i32
        %mul3A_1245 = arith.muli %scan3A_126, %mul3A_1244 : i32
        %add3A_1246 = arith.constant 64 : i32
        %add3A_1247 = arith.addi %mul3A_1245, %add3A_1246 : i32
        %swap3A_1248 = arith.constant 6 : i32
        %swap3A_1249 = arith.index_cast %rem3A_92 : i32 to index
        %swap3A_1250 = arith.index_cast %swap3A_1248 : i32 to index
        %swap3A_1251 = arith.index_cast %add3A_1247 : i32 to index
        %swap3A_1252 = tpu.vector_load %arg5[%swap3A_1249, %swap3A_1250, %swap3A_1251] {strides = array<i32>} : memref<3x8x4096xf32, #tpu.memory_space<vmem>>, vector<1x1x16xf32>,
        %swap3A_1253 = vector.shape_cast %swap3A_1252 : vector<1x1x16xf32> to vector<16xf32>
        %swap3A_1254 = vector.shape_cast %broadcast_in_dim3A_1199 : vector<16xf32> to vector<1x1x16xf32>
        tpu.vector_store %arg5[%swap3A_1249, %swap3A_1250, %swap3A_1251], %swap3A_1254 {strides = array<i32>} : memref<3x8x4096xf32, #tpu.memory_space<vmem>>, vector<1x1x16xf32>,
        %mul3A_1255 = arith.constant 256 : i32
        %mul3A_1256 = arith.muli %scan3A_126, %mul3A_1255 : i32
        %add3A_1257 = arith.constant 80 : i32
        %add3A_1258 = arith.addi %mul3A_1256, %add3A_1257 : i32
        %swap3A_1259 = arith.constant 6 : i32
        %swap3A_1260 = arith.index_cast %rem3A_92 : i32 to index
        %swap3A_1261 = arith.index_cast %swap3A_1259 : i32 to index
        %swap3A_1262 = arith.index_cast %add3A_1258 : i32 to index
        %swap3A_1263 = tpu.vector_load %arg5[%swap3A_1260, %swap3A_1261, %swap3A_1262] {strides = array<i32>} : memref<3x8x4096xf32, #tpu.memory_space<vmem>>, vector<1x1x16xf32>,
        %swap3A_1264 = vector.shape_cast %swap3A_1263 : vector<1x1x16xf32> to vector<16xf32>
        %swap3A_1265 = vector.shape_cast %broadcast_in_dim3A_1199 : vector<16xf32> to vector<1x1x16xf32>
        tpu.vector_store %arg5[%swap3A_1260, %swap3A_1261, %swap3A_1262], %swap3A_1265 {strides = array<i32>} : memref<3x8x4096xf32, #tpu.memory_space<vmem>>, vector<1x1x16xf32>,
        %mul3A_1266 = arith.constant 256 : i32
        %mul3A_1267 = arith.muli %scan3A_126, %mul3A_1266 : i32
        %add3A_1268 = arith.constant 96 : i32
        %add3A_1269 = arith.addi %mul3A_1267, %add3A_1268 : i32
        %swap3A_1270 = arith.constant 6 : i32
        %swap3A_1271 = arith.index_cast %rem3A_92 : i32 to index
        %swap3A_1272 = arith.index_cast %swap3A_1270 : i32 to index
        %swap3A_1273 = arith.index_cast %add3A_1269 : i32 to index
        %swap3A_1274 = tpu.vector_load %arg5[%swap3A_1271, %swap3A_1272, %swap3A_1273] {strides = array<i32>} : memref<3x8x4096xf32, #tpu.memory_space<vmem>>, vector<1x1x16xf32>,
        %swap3A_1275 = vector.shape_cast %swap3A_1274 : vector<1x1x16xf32> to vector<16xf32>
        %swap3A_1276 = vector.shape_cast %broadcast_in_dim3A_1199 : vector<16xf32> to vector<1x1x16xf32>
        tpu.vector_store %arg5[%swap3A_1271, %swap3A_1272, %swap3A_1273], %swap3A_1276 {strides = array<i32>} : memref<3x8x4096xf32, #tpu.memory_space<vmem>>, vector<1x1x16xf32>,
        %mul3A_1277 = arith.constant 256 : i32
        %mul3A_1278 = arith.muli %scan3A_126, %mul3A_1277 : i32
        %add3A_1279 = arith.constant 112 : i32
        %add3A_1280 = arith.addi %mul3A_1278, %add3A_1279 : i32
        %swap3A_1281 = arith.constant 6 : i32
        %swap3A_1282 = arith.index_cast %rem3A_92 : i32 to index
        %swap3A_1283 = arith.index_cast %swap3A_1281 : i32 to index
        %swap3A_1284 = arith.index_cast %add3A_1280 : i32 to index
        %swap3A_1285 = tpu.vector_load %arg5[%swap3A_1282, %swap3A_1283, %swap3A_1284] {strides = array<i32>} : memref<3x8x4096xf32, #tpu.memory_space<vmem>>, vector<1x1x16xf32>,
        %swap3A_1286 = vector.shape_cast %swap3A_1285 : vector<1x1x16xf32> to vector<16xf32>
        %swap3A_1287 = vector.shape_cast %broadcast_in_dim3A_1199 : vector<16xf32> to vector<1x1x16xf32>
        tpu.vector_store %arg5[%swap3A_1282, %swap3A_1283, %swap3A_1284], %swap3A_1287 {strides = array<i32>} : memref<3x8x4096xf32, #tpu.memory_space<vmem>>, vector<1x1x16xf32>,
        %mul3A_1288 = arith.constant 256 : i32
        %mul3A_1289 = arith.muli %scan3A_126, %mul3A_1288 : i32
        %add3A_1290 = arith.constant 128 : i32
        %add3A_1291 = arith.addi %mul3A_1289, %add3A_1290 : i32
        %swap3A_1292 = arith.constant 6 : i32
        %swap3A_1293 = arith.index_cast %rem3A_92 : i32 to index
        %swap3A_1294 = arith.index_cast %swap3A_1292 : i32 to index
        %swap3A_1295 = arith.index_cast %add3A_1291 : i32 to index
        %swap3A_1296 = tpu.vector_load %arg5[%swap3A_1293, %swap3A_1294, %swap3A_1295] {strides = array<i32>} : memref<3x8x4096xf32, #tpu.memory_space<vmem>>, vector<1x1x16xf32>,
        %swap3A_1297 = vector.shape_cast %swap3A_1296 : vector<1x1x16xf32> to vector<16xf32>
        %swap3A_1298 = vector.shape_cast %broadcast_in_dim3A_1199 : vector<16xf32> to vector<1x1x16xf32>
        tpu.vector_store %arg5[%swap3A_1293, %swap3A_1294, %swap3A_1295], %swap3A_1298 {strides = array<i32>} : memref<3x8x4096xf32, #tpu.memory_space<vmem>>, vector<1x1x16xf32>,
        %mul3A_1299 = arith.constant 256 : i32
        %mul3A_1300 = arith.muli %scan3A_126, %mul3A_1299 : i32
        %add3A_1301 = arith.constant 144 : i32
        %add3A_1302 = arith.addi %mul3A_1300, %add3A_1301 : i32
        %swap3A_1303 = arith.constant 6 : i32
        %swap3A_1304 = arith.index_cast %rem3A_92 : i32 to index
        %swap3A_1305 = arith.index_cast %swap3A_1303 : i32 to index
        %swap3A_1306 = arith.index_cast %add3A_1302 : i32 to index
        %swap3A_1307 = tpu.vector_load %arg5[%swap3A_1304, %swap3A_1305, %swap3A_1306] {strides = array<i32>} : memref<3x8x4096xf32, #tpu.memory_space<vmem>>, vector<1x1x16xf32>,
        %swap3A_1308 = vector.shape_cast %swap3A_1307 : vector<1x1x16xf32> to vector<16xf32>
        %swap3A_1309 = vector.shape_cast %broadcast_in_dim3A_1199 : vector<16xf32> to vector<1x1x16xf32>
        tpu.vector_store %arg5[%swap3A_1304, %swap3A_1305, %swap3A_1306], %swap3A_1309 {strides = array<i32>} : memref<3x8x4096xf32, #tpu.memory_space<vmem>>, vector<1x1x16xf32>,
        %mul3A_1310 = arith.constant 256 : i32
        %mul3A_1311 = arith.muli %scan3A_126, %mul3A_1310 : i32
        %add3A_1312 = arith.constant 160 : i32
        %add3A_1313 = arith.addi %mul3A_1311, %add3A_1312 : i32
        %swap3A_1314 = arith.constant 6 : i32
        %swap3A_1315 = arith.index_cast %rem3A_92 : i32 to index
        %swap3A_1316 = arith.index_cast %swap3A_1314 : i32 to index
        %swap3A_1317 = arith.index_cast %add3A_1313 : i32 to index
        %swap3A_1318 = tpu.vector_load %arg5[%swap3A_1315, %swap3A_1316, %swap3A_1317] {strides = array<i32>} : memref<3x8x4096xf32, #tpu.memory_space<vmem>>, vector<1x1x16xf32>,
        %swap3A_1319 = vector.shape_cast %swap3A_1318 : vector<1x1x16xf32> to vector<16xf32>
        %swap3A_1320 = vector.shape_cast %broadcast_in_dim3A_1199 : vector<16xf32> to vector<1x1x16xf32>
        tpu.vector_store %arg5[%swap3A_1315, %swap3A_1316, %swap3A_1317], %swap3A_1320 {strides = array<i32>} : memref<3x8x4096xf32, #tpu.memory_space<vmem>>, vector<1x1x16xf32>,
        %mul3A_1321 = arith.constant 256 : i32
        %mul3A_1322 = arith.muli %scan3A_126, %mul3A_1321 : i32
        %add3A_1323 = arith.constant 176 : i32
        %add3A_1324 = arith.addi %mul3A_1322, %add3A_1323 : i32
        %swap3A_1325 = arith.constant 6 : i32
        %swap3A_1326 = arith.index_cast %rem3A_92 : i32 to index
        %swap3A_1327 = arith.index_cast %swap3A_1325 : i32 to index
        %swap3A_1328 = arith.index_cast %add3A_1324 : i32 to index
        %swap3A_1329 = tpu.vector_load %arg5[%swap3A_1326, %swap3A_1327, %swap3A_1328] {strides = array<i32>} : memref<3x8x4096xf32, #tpu.memory_space<vmem>>, vector<1x1x16xf32>,
        %swap3A_1330 = vector.shape_cast %swap3A_1329 : vector<1x1x16xf32> to vector<16xf32>
        %swap3A_1331 = vector.shape_cast %broadcast_in_dim3A_1199 : vector<16xf32> to vector<1x1x16xf32>
        tpu.vector_store %arg5[%swap3A_1326, %swap3A_1327, %swap3A_1328], %swap3A_1331 {strides = array<i32>} : memref<3x8x4096xf32, #tpu.memory_space<vmem>>, vector<1x1x16xf32>,
        %mul3A_1332 = arith.constant 256 : i32
        %mul3A_1333 = arith.muli %scan3A_126, %mul3A_1332 : i32
        %add3A_1334 = arith.constant 192 : i32
        %add3A_1335 = arith.addi %mul3A_1333, %add3A_1334 : i32
        %swap3A_1336 = arith.constant 6 : i32
        %swap3A_1337 = arith.index_cast %rem3A_92 : i32 to index
        %swap3A_1338 = arith.index_cast %swap3A_1336 : i32 to index
        %swap3A_1339 = arith.index_cast %add3A_1335 : i32 to index
        %swap3A_1340 = tpu.vector_load %arg5[%swap3A_1337, %swap3A_1338, %swap3A_1339] {strides = array<i32>} : memref<3x8x4096xf32, #tpu.memory_space<vmem>>, vector<1x1x16xf32>,
        %swap3A_1341 = vector.shape_cast %swap3A_1340 : vector<1x1x16xf32> to vector<16xf32>
        %swap3A_1342 = vector.shape_cast %broadcast_in_dim3A_1199 : vector<16xf32> to vector<1x1x16xf32>
        tpu.vector_store %arg5[%swap3A_1337, %swap3A_1338, %swap3A_1339], %swap3A_1342 {strides = array<i32>} : memref<3x8x4096xf32, #tpu.memory_space<vmem>>, vector<1x1x16xf32>,
        %mul3A_1343 = arith.constant 256 : i32
        %mul3A_1344 = arith.muli %scan3A_126, %mul3A_1343 : i32
        %add3A_1345 = arith.constant 208 : i32
        %add3A_1346 = arith.addi %mul3A_1344, %add3A_1345 : i32
        %swap3A_1347 = arith.constant 6 : i32
        %swap3A_1348 = arith.index_cast %rem3A_92 : i32 to index
        %swap3A_1349 = arith.index_cast %swap3A_1347 : i32 to index
        %swap3A_1350 = arith.index_cast %add3A_1346 : i32 to index
        %swap3A_1351 = tpu.vector_load %arg5[%swap3A_1348, %swap3A_1349, %swap3A_1350] {strides = array<i32>} : memref<3x8x4096xf32, #tpu.memory_space<vmem>>, vector<1x1x16xf32>,
        %swap3A_1352 = vector.shape_cast %swap3A_1351 : vector<1x1x16xf32> to vector<16xf32>
        %swap3A_1353 = vector.shape_cast %broadcast_in_dim3A_1199 : vector<16xf32> to vector<1x1x16xf32>
        tpu.vector_store %arg5[%swap3A_1348, %swap3A_1349, %swap3A_1350], %swap3A_1353 {strides = array<i32>} : memref<3x8x4096xf32, #tpu.memory_space<vmem>>, vector<1x1x16xf32>,
        %mul3A_1354 = arith.constant 256 : i32
        %mul3A_1355 = arith.muli %scan3A_126, %mul3A_1354 : i32
        %add3A_1356 = arith.constant 224 : i32
        %add3A_1357 = arith.addi %mul3A_1355, %add3A_1356 : i32
        %swap3A_1358 = arith.constant 6 : i32
        %swap3A_1359 = arith.index_cast %rem3A_92 : i32 to index
        %swap3A_1360 = arith.index_cast %swap3A_1358 : i32 to index
        %swap3A_1361 = arith.index_cast %add3A_1357 : i32 to index
        %swap3A_1362 = tpu.vector_load %arg5[%swap3A_1359, %swap3A_1360, %swap3A_1361] {strides = array<i32>} : memref<3x8x4096xf32, #tpu.memory_space<vmem>>, vector<1x1x16xf32>,
        %swap3A_1363 = vector.shape_cast %swap3A_1362 : vector<1x1x16xf32> to vector<16xf32>
        %swap3A_1364 = vector.shape_cast %broadcast_in_dim3A_1199 : vector<16xf32> to vector<1x1x16xf32>
        tpu.vector_store %arg5[%swap3A_1359, %swap3A_1360, %swap3A_1361], %swap3A_1364 {strides = array<i32>} : memref<3x8x4096xf32, #tpu.memory_space<vmem>>, vector<1x1x16xf32>,
        %mul3A_1365 = arith.constant 256 : i32
        %mul3A_1366 = arith.muli %scan3A_126, %mul3A_1365 : i32
        %add3A_1367 = arith.constant 240 : i32
        %add3A_1368 = arith.addi %mul3A_1366, %add3A_1367 : i32
        %swap3A_1369 = arith.constant 6 : i32
        %swap3A_1370 = arith.index_cast %rem3A_92 : i32 to index
        %swap3A_1371 = arith.index_cast %swap3A_1369 : i32 to index
        %swap3A_1372 = arith.index_cast %add3A_1368 : i32 to index
        %swap3A_1373 = tpu.vector_load %arg5[%swap3A_1370, %swap3A_1371, %swap3A_1372] {strides = array<i32>} : memref<3x8x4096xf32, #tpu.memory_space<vmem>>, vector<1x1x16xf32>,
        %swap3A_1374 = vector.shape_cast %swap3A_1373 : vector<1x1x16xf32> to vector<16xf32>
        %swap3A_1375 = vector.shape_cast %broadcast_in_dim3A_1199 : vector<16xf32> to vector<1x1x16xf32>
        tpu.vector_store %arg5[%swap3A_1370, %swap3A_1371, %swap3A_1372], %swap3A_1375 {strides = array<i32>} : memref<3x8x4096xf32, #tpu.memory_space<vmem>>, vector<1x1x16xf32>,
        %slice3A_1376 = vector.extract_strided_slice %get3A_98 {offsets = [7], sizes = [1], strides = [1]} : vector<16xf32> to vector<1xf32>
        %squeeze3A_1377 = vector.extract %slice3A_1376[0] : f32 from vector<1xf32>
        %broadcast_in_dim3A_1378 = vector.broadcast %squeeze3A_1377 : f32 to vector<16xf32>
        %mul3A_1379 = arith.constant 256 : i32
        %mul3A_1380 = arith.muli %scan3A_126, %mul3A_1379 : i32
        %add3A_1381 = arith.constant 0 : i32
        %add3A_1382 = arith.addi %mul3A_1380, %add3A_1381 : i32
        %swap3A_1383 = arith.constant 7 : i32
        %swap3A_1384 = arith.index_cast %rem3A_92 : i32 to index
        %swap3A_1385 = arith.index_cast %swap3A_1383 : i32 to index
        %swap3A_1386 = arith.index_cast %add3A_1382 : i32 to index
        %swap3A_1387 = tpu.vector_load %arg5[%swap3A_1384, %swap3A_1385, %swap3A_1386] {strides = array<i32>} : memref<3x8x4096xf32, #tpu.memory_space<vmem>>, vector<1x1x16xf32>,
        %swap3A_1388 = vector.shape_cast %swap3A_1387 : vector<1x1x16xf32> to vector<16xf32>
        %swap3A_1389 = vector.shape_cast %broadcast_in_dim3A_1378 : vector<16xf32> to vector<1x1x16xf32>
        tpu.vector_store %arg5[%swap3A_1384, %swap3A_1385, %swap3A_1386], %swap3A_1389 {strides = array<i32>} : memref<3x8x4096xf32, #tpu.memory_space<vmem>>, vector<1x1x16xf32>,
        %mul3A_1390 = arith.constant 256 : i32
        %mul3A_1391 = arith.muli %scan3A_126, %mul3A_1390 : i32
        %add3A_1392 = arith.constant 16 : i32
        %add3A_1393 = arith.addi %mul3A_1391, %add3A_1392 : i32
        %swap3A_1394 = arith.constant 7 : i32
        %swap3A_1395 = arith.index_cast %rem3A_92 : i32 to index
        %swap3A_1396 = arith.index_cast %swap3A_1394 : i32 to index
        %swap3A_1397 = arith.index_cast %add3A_1393 : i32 to index
        %swap3A_1398 = tpu.vector_load %arg5[%swap3A_1395, %swap3A_1396, %swap3A_1397] {strides = array<i32>} : memref<3x8x4096xf32, #tpu.memory_space<vmem>>, vector<1x1x16xf32>,
        %swap3A_1399 = vector.shape_cast %swap3A_1398 : vector<1x1x16xf32> to vector<16xf32>
        %swap3A_1400 = vector.shape_cast %broadcast_in_dim3A_1378 : vector<16xf32> to vector<1x1x16xf32>
        tpu.vector_store %arg5[%swap3A_1395, %swap3A_1396, %swap3A_1397], %swap3A_1400 {strides = array<i32>} : memref<3x8x4096xf32, #tpu.memory_space<vmem>>, vector<1x1x16xf32>,
        %mul3A_1401 = arith.constant 256 : i32
        %mul3A_1402 = arith.muli %scan3A_126, %mul3A_1401 : i32
        %add3A_1403 = arith.constant 32 : i32
        %add3A_1404 = arith.addi %mul3A_1402, %add3A_1403 : i32
        %swap3A_1405 = arith.constant 7 : i32
        %swap3A_1406 = arith.index_cast %rem3A_92 : i32 to index
        %swap3A_1407 = arith.index_cast %swap3A_1405 : i32 to index
        %swap3A_1408 = arith.index_cast %add3A_1404 : i32 to index
        %swap3A_1409 = tpu.vector_load %arg5[%swap3A_1406, %swap3A_1407, %swap3A_1408] {strides = array<i32>} : memref<3x8x4096xf32, #tpu.memory_space<vmem>>, vector<1x1x16xf32>,
        %swap3A_1410 = vector.shape_cast %swap3A_1409 : vector<1x1x16xf32> to vector<16xf32>
        %swap3A_1411 = vector.shape_cast %broadcast_in_dim3A_1378 : vector<16xf32> to vector<1x1x16xf32>
        tpu.vector_store %arg5[%swap3A_1406, %swap3A_1407, %swap3A_1408], %swap3A_1411 {strides = array<i32>} : memref<3x8x4096xf32, #tpu.memory_space<vmem>>, vector<1x1x16xf32>,
        %mul3A_1412 = arith.constant 256 : i32
        %mul3A_1413 = arith.muli %scan3A_126, %mul3A_1412 : i32
        %add3A_1414 = arith.constant 48 : i32
        %add3A_1415 = arith.addi %mul3A_1413, %add3A_1414 : i32
        %swap3A_1416 = arith.constant 7 : i32
        %swap3A_1417 = arith.index_cast %rem3A_92 : i32 to index
        %swap3A_1418 = arith.index_cast %swap3A_1416 : i32 to index
        %swap3A_1419 = arith.index_cast %add3A_1415 : i32 to index
        %swap3A_1420 = tpu.vector_load %arg5[%swap3A_1417, %swap3A_1418, %swap3A_1419] {strides = array<i32>} : memref<3x8x4096xf32, #tpu.memory_space<vmem>>, vector<1x1x16xf32>,
        %swap3A_1421 = vector.shape_cast %swap3A_1420 : vector<1x1x16xf32> to vector<16xf32>
        %swap3A_1422 = vector.shape_cast %broadcast_in_dim3A_1378 : vector<16xf32> to vector<1x1x16xf32>
        tpu.vector_store %arg5[%swap3A_1417, %swap3A_1418, %swap3A_1419], %swap3A_1422 {strides = array<i32>} : memref<3x8x4096xf32, #tpu.memory_space<vmem>>, vector<1x1x16xf32>,
        %mul3A_1423 = arith.constant 256 : i32
        %mul3A_1424 = arith.muli %scan3A_126, %mul3A_1423 : i32
        %add3A_1425 = arith.constant 64 : i32
        %add3A_1426 = arith.addi %mul3A_1424, %add3A_1425 : i32
        %swap3A_1427 = arith.constant 7 : i32
        %swap3A_1428 = arith.index_cast %rem3A_92 : i32 to index
        %swap3A_1429 = arith.index_cast %swap3A_1427 : i32 to index
        %swap3A_1430 = arith.index_cast %add3A_1426 : i32 to index
        %swap3A_1431 = tpu.vector_load %arg5[%swap3A_1428, %swap3A_1429, %swap3A_1430] {strides = array<i32>} : memref<3x8x4096xf32, #tpu.memory_space<vmem>>, vector<1x1x16xf32>,
        %swap3A_1432 = vector.shape_cast %swap3A_1431 : vector<1x1x16xf32> to vector<16xf32>
        %swap3A_1433 = vector.shape_cast %broadcast_in_dim3A_1378 : vector<16xf32> to vector<1x1x16xf32>
        tpu.vector_store %arg5[%swap3A_1428, %swap3A_1429, %swap3A_1430], %swap3A_1433 {strides = array<i32>} : memref<3x8x4096xf32, #tpu.memory_space<vmem>>, vector<1x1x16xf32>,
        %mul3A_1434 = arith.constant 256 : i32
        %mul3A_1435 = arith.muli %scan3A_126, %mul3A_1434 : i32
        %add3A_1436 = arith.constant 80 : i32
        %add3A_1437 = arith.addi %mul3A_1435, %add3A_1436 : i32
        %swap3A_1438 = arith.constant 7 : i32
        %swap3A_1439 = arith.index_cast %rem3A_92 : i32 to index
        %swap3A_1440 = arith.index_cast %swap3A_1438 : i32 to index
        %swap3A_1441 = arith.index_cast %add3A_1437 : i32 to index
        %swap3A_1442 = tpu.vector_load %arg5[%swap3A_1439, %swap3A_1440, %swap3A_1441] {strides = array<i32>} : memref<3x8x4096xf32, #tpu.memory_space<vmem>>, vector<1x1x16xf32>,
        %swap3A_1443 = vector.shape_cast %swap3A_1442 : vector<1x1x16xf32> to vector<16xf32>
        %swap3A_1444 = vector.shape_cast %broadcast_in_dim3A_1378 : vector<16xf32> to vector<1x1x16xf32>
        tpu.vector_store %arg5[%swap3A_1439, %swap3A_1440, %swap3A_1441], %swap3A_1444 {strides = array<i32>} : memref<3x8x4096xf32, #tpu.memory_space<vmem>>, vector<1x1x16xf32>,
        %mul3A_1445 = arith.constant 256 : i32
        %mul3A_1446 = arith.muli %scan3A_126, %mul3A_1445 : i32
        %add3A_1447 = arith.constant 96 : i32
        %add3A_1448 = arith.addi %mul3A_1446, %add3A_1447 : i32
        %swap3A_1449 = arith.constant 7 : i32
        %swap3A_1450 = arith.index_cast %rem3A_92 : i32 to index
        %swap3A_1451 = arith.index_cast %swap3A_1449 : i32 to index
        %swap3A_1452 = arith.index_cast %add3A_1448 : i32 to index
        %swap3A_1453 = tpu.vector_load %arg5[%swap3A_1450, %swap3A_1451, %swap3A_1452] {strides = array<i32>} : memref<3x8x4096xf32, #tpu.memory_space<vmem>>, vector<1x1x16xf32>,
        %swap3A_1454 = vector.shape_cast %swap3A_1453 : vector<1x1x16xf32> to vector<16xf32>
        %swap3A_1455 = vector.shape_cast %broadcast_in_dim3A_1378 : vector<16xf32> to vector<1x1x16xf32>
        tpu.vector_store %arg5[%swap3A_1450, %swap3A_1451, %swap3A_1452], %swap3A_1455 {strides = array<i32>} : memref<3x8x4096xf32, #tpu.memory_space<vmem>>, vector<1x1x16xf32>,
        %mul3A_1456 = arith.constant 256 : i32
        %mul3A_1457 = arith.muli %scan3A_126, %mul3A_1456 : i32
        %add3A_1458 = arith.constant 112 : i32
        %add3A_1459 = arith.addi %mul3A_1457, %add3A_1458 : i32
        %swap3A_1460 = arith.constant 7 : i32
        %swap3A_1461 = arith.index_cast %rem3A_92 : i32 to index
        %swap3A_1462 = arith.index_cast %swap3A_1460 : i32 to index
        %swap3A_1463 = arith.index_cast %add3A_1459 : i32 to index
        %swap3A_1464 = tpu.vector_load %arg5[%swap3A_1461, %swap3A_1462, %swap3A_1463] {strides = array<i32>} : memref<3x8x4096xf32, #tpu.memory_space<vmem>>, vector<1x1x16xf32>,
        %swap3A_1465 = vector.shape_cast %swap3A_1464 : vector<1x1x16xf32> to vector<16xf32>
        %swap3A_1466 = vector.shape_cast %broadcast_in_dim3A_1378 : vector<16xf32> to vector<1x1x16xf32>
        tpu.vector_store %arg5[%swap3A_1461, %swap3A_1462, %swap3A_1463], %swap3A_1466 {strides = array<i32>} : memref<3x8x4096xf32, #tpu.memory_space<vmem>>, vector<1x1x16xf32>,
        %mul3A_1467 = arith.constant 256 : i32
        %mul3A_1468 = arith.muli %scan3A_126, %mul3A_1467 : i32
        %add3A_1469 = arith.constant 128 : i32
        %add3A_1470 = arith.addi %mul3A_1468, %add3A_1469 : i32
        %swap3A_1471 = arith.constant 7 : i32
        %swap3A_1472 = arith.index_cast %rem3A_92 : i32 to index
        %swap3A_1473 = arith.index_cast %swap3A_1471 : i32 to index
        %swap3A_1474 = arith.index_cast %add3A_1470 : i32 to index
        %swap3A_1475 = tpu.vector_load %arg5[%swap3A_1472, %swap3A_1473, %swap3A_1474] {strides = array<i32>} : memref<3x8x4096xf32, #tpu.memory_space<vmem>>, vector<1x1x16xf32>,
        %swap3A_1476 = vector.shape_cast %swap3A_1475 : vector<1x1x16xf32> to vector<16xf32>
        %swap3A_1477 = vector.shape_cast %broadcast_in_dim3A_1378 : vector<16xf32> to vector<1x1x16xf32>
        tpu.vector_store %arg5[%swap3A_1472, %swap3A_1473, %swap3A_1474], %swap3A_1477 {strides = array<i32>} : memref<3x8x4096xf32, #tpu.memory_space<vmem>>, vector<1x1x16xf32>,
        %mul3A_1478 = arith.constant 256 : i32
        %mul3A_1479 = arith.muli %scan3A_126, %mul3A_1478 : i32
        %add3A_1480 = arith.constant 144 : i32
        %add3A_1481 = arith.addi %mul3A_1479, %add3A_1480 : i32
        %swap3A_1482 = arith.constant 7 : i32
        %swap3A_1483 = arith.index_cast %rem3A_92 : i32 to index
        %swap3A_1484 = arith.index_cast %swap3A_1482 : i32 to index
        %swap3A_1485 = arith.index_cast %add3A_1481 : i32 to index
        %swap3A_1486 = tpu.vector_load %arg5[%swap3A_1483, %swap3A_1484, %swap3A_1485] {strides = array<i32>} : memref<3x8x4096xf32, #tpu.memory_space<vmem>>, vector<1x1x16xf32>,
        %swap3A_1487 = vector.shape_cast %swap3A_1486 : vector<1x1x16xf32> to vector<16xf32>
        %swap3A_1488 = vector.shape_cast %broadcast_in_dim3A_1378 : vector<16xf32> to vector<1x1x16xf32>
        tpu.vector_store %arg5[%swap3A_1483, %swap3A_1484, %swap3A_1485], %swap3A_1488 {strides = array<i32>} : memref<3x8x4096xf32, #tpu.memory_space<vmem>>, vector<1x1x16xf32>,
        %mul3A_1489 = arith.constant 256 : i32
        %mul3A_1490 = arith.muli %scan3A_126, %mul3A_1489 : i32
        %add3A_1491 = arith.constant 160 : i32
        %add3A_1492 = arith.addi %mul3A_1490, %add3A_1491 : i32
        %swap3A_1493 = arith.constant 7 : i32
        %swap3A_1494 = arith.index_cast %rem3A_92 : i32 to index
        %swap3A_1495 = arith.index_cast %swap3A_1493 : i32 to index
        %swap3A_1496 = arith.index_cast %add3A_1492 : i32 to index
        %swap3A_1497 = tpu.vector_load %arg5[%swap3A_1494, %swap3A_1495, %swap3A_1496] {strides = array<i32>} : memref<3x8x4096xf32, #tpu.memory_space<vmem>>, vector<1x1x16xf32>,
        %swap3A_1498 = vector.shape_cast %swap3A_1497 : vector<1x1x16xf32> to vector<16xf32>
        %swap3A_1499 = vector.shape_cast %broadcast_in_dim3A_1378 : vector<16xf32> to vector<1x1x16xf32>
        tpu.vector_store %arg5[%swap3A_1494, %swap3A_1495, %swap3A_1496], %swap3A_1499 {strides = array<i32>} : memref<3x8x4096xf32, #tpu.memory_space<vmem>>, vector<1x1x16xf32>,
        %mul3A_1500 = arith.constant 256 : i32
        %mul3A_1501 = arith.muli %scan3A_126, %mul3A_1500 : i32
        %add3A_1502 = arith.constant 176 : i32
        %add3A_1503 = arith.addi %mul3A_1501, %add3A_1502 : i32
        %swap3A_1504 = arith.constant 7 : i32
        %swap3A_1505 = arith.index_cast %rem3A_92 : i32 to index
        %swap3A_1506 = arith.index_cast %swap3A_1504 : i32 to index
        %swap3A_1507 = arith.index_cast %add3A_1503 : i32 to index
        %swap3A_1508 = tpu.vector_load %arg5[%swap3A_1505, %swap3A_1506, %swap3A_1507] {strides = array<i32>} : memref<3x8x4096xf32, #tpu.memory_space<vmem>>, vector<1x1x16xf32>,
        %swap3A_1509 = vector.shape_cast %swap3A_1508 : vector<1x1x16xf32> to vector<16xf32>
        %swap3A_1510 = vector.shape_cast %broadcast_in_dim3A_1378 : vector<16xf32> to vector<1x1x16xf32>
        tpu.vector_store %arg5[%swap3A_1505, %swap3A_1506, %swap3A_1507], %swap3A_1510 {strides = array<i32>} : memref<3x8x4096xf32, #tpu.memory_space<vmem>>, vector<1x1x16xf32>,
        %mul3A_1511 = arith.constant 256 : i32
        %mul3A_1512 = arith.muli %scan3A_126, %mul3A_1511 : i32
        %add3A_1513 = arith.constant 192 : i32
        %add3A_1514 = arith.addi %mul3A_1512, %add3A_1513 : i32
        %swap3A_1515 = arith.constant 7 : i32
        %swap3A_1516 = arith.index_cast %rem3A_92 : i32 to index
        %swap3A_1517 = arith.index_cast %swap3A_1515 : i32 to index
        %swap3A_1518 = arith.index_cast %add3A_1514 : i32 to index
        %swap3A_1519 = tpu.vector_load %arg5[%swap3A_1516, %swap3A_1517, %swap3A_1518] {strides = array<i32>} : memref<3x8x4096xf32, #tpu.memory_space<vmem>>, vector<1x1x16xf32>,
        %swap3A_1520 = vector.shape_cast %swap3A_1519 : vector<1x1x16xf32> to vector<16xf32>
        %swap3A_1521 = vector.shape_cast %broadcast_in_dim3A_1378 : vector<16xf32> to vector<1x1x16xf32>
        tpu.vector_store %arg5[%swap3A_1516, %swap3A_1517, %swap3A_1518], %swap3A_1521 {strides = array<i32>} : memref<3x8x4096xf32, #tpu.memory_space<vmem>>, vector<1x1x16xf32>,
        %mul3A_1522 = arith.constant 256 : i32
        %mul3A_1523 = arith.muli %scan3A_126, %mul3A_1522 : i32
        %add3A_1524 = arith.constant 208 : i32
        %add3A_1525 = arith.addi %mul3A_1523, %add3A_1524 : i32
        %swap3A_1526 = arith.constant 7 : i32
        %swap3A_1527 = arith.index_cast %rem3A_92 : i32 to index
        %swap3A_1528 = arith.index_cast %swap3A_1526 : i32 to index
        %swap3A_1529 = arith.index_cast %add3A_1525 : i32 to index
        %swap3A_1530 = tpu.vector_load %arg5[%swap3A_1527, %swap3A_1528, %swap3A_1529] {strides = array<i32>} : memref<3x8x4096xf32, #tpu.memory_space<vmem>>, vector<1x1x16xf32>,
        %swap3A_1531 = vector.shape_cast %swap3A_1530 : vector<1x1x16xf32> to vector<16xf32>
        %swap3A_1532 = vector.shape_cast %broadcast_in_dim3A_1378 : vector<16xf32> to vector<1x1x16xf32>
        tpu.vector_store %arg5[%swap3A_1527, %swap3A_1528, %swap3A_1529], %swap3A_1532 {strides = array<i32>} : memref<3x8x4096xf32, #tpu.memory_space<vmem>>, vector<1x1x16xf32>,
        %mul3A_1533 = arith.constant 256 : i32
        %mul3A_1534 = arith.muli %scan3A_126, %mul3A_1533 : i32
        %add3A_1535 = arith.constant 224 : i32
        %add3A_1536 = arith.addi %mul3A_1534, %add3A_1535 : i32
        %swap3A_1537 = arith.constant 7 : i32
        %swap3A_1538 = arith.index_cast %rem3A_92 : i32 to index
        %swap3A_1539 = arith.index_cast %swap3A_1537 : i32 to index
        %swap3A_1540 = arith.index_cast %add3A_1536 : i32 to index
        %swap3A_1541 = tpu.vector_load %arg5[%swap3A_1538, %swap3A_1539, %swap3A_1540] {strides = array<i32>} : memref<3x8x4096xf32, #tpu.memory_space<vmem>>, vector<1x1x16xf32>,
        %swap3A_1542 = vector.shape_cast %swap3A_1541 : vector<1x1x16xf32> to vector<16xf32>
        %swap3A_1543 = vector.shape_cast %broadcast_in_dim3A_1378 : vector<16xf32> to vector<1x1x16xf32>
        tpu.vector_store %arg5[%swap3A_1538, %swap3A_1539, %swap3A_1540], %swap3A_1543 {strides = array<i32>} : memref<3x8x4096xf32, #tpu.memory_space<vmem>>, vector<1x1x16xf32>,
        %mul3A_1544 = arith.constant 256 : i32
        %mul3A_1545 = arith.muli %scan3A_126, %mul3A_1544 : i32
        %add3A_1546 = arith.constant 240 : i32
        %add3A_1547 = arith.addi %mul3A_1545, %add3A_1546 : i32
        %swap3A_1548 = arith.constant 7 : i32
        %swap3A_1549 = arith.index_cast %rem3A_92 : i32 to index
        %swap3A_1550 = arith.index_cast %swap3A_1548 : i32 to index
        %swap3A_1551 = arith.index_cast %add3A_1547 : i32 to index
        %swap3A_1552 = tpu.vector_load %arg5[%swap3A_1549, %swap3A_1550, %swap3A_1551] {strides = array<i32>} : memref<3x8x4096xf32, #tpu.memory_space<vmem>>, vector<1x1x16xf32>,
        %swap3A_1553 = vector.shape_cast %swap3A_1552 : vector<1x1x16xf32> to vector<16xf32>
        %swap3A_1554 = vector.shape_cast %broadcast_in_dim3A_1378 : vector<16xf32> to vector<1x1x16xf32>
        tpu.vector_store %arg5[%swap3A_1549, %swap3A_1550, %swap3A_1551], %swap3A_1554 {strides = array<i32>} : memref<3x8x4096xf32, #tpu.memory_space<vmem>>, vector<1x1x16xf32>,
      }
      %scan3A_104 = arith.constant 16 : i32
      %div3A_105 = arith.constant 8 : i32
      %div3A_106 = arith.divsi %add3A_90, %div3A_105 : i32
      %rem3A_107 = arith.constant 8 : i32
      %rem3A_108 = arith.remsi %add3A_90, %rem3A_107 : i32
      %mul3A_109 = arith.constant 8 : i32
      %mul3A_110 = arith.muli %rem3A_108, %mul3A_109 : i32
      %dma_start3A = arith.constant 0 : i32
      %dma_start3A_111 = arith.constant 0 : i32
      %dma_start3A_112 = tpu.memref_slice %arg5[%rem3A_92, %dma_start3A, %dma_start3A_111] : memref<3x8x4096xf32, #tpu.memory_space<vmem>> -> memref<1x8x4096xf32, #tpu.memory_space<vmem>>
      %dma_start3A_113 = tpu.memref_squeeze %dma_start3A_112 : memref<1x8x4096xf32, #tpu.memory_space<vmem>> -> memref<8x4096xf32, #tpu.memory_space<vmem>>
      %dma_start3A_114 = arith.constant 0 : i32
      %dma_start3A_115 = tpu.memref_slice %arg3[%div3A_106, %mul3A_110, %dma_start3A_114] : memref<268x64x4096xf32, #tpu.memory_space<hbm>> -> memref<1x8x4096xf32, #tpu.memory_space<hbm>>
      %dma_start3A_116 = tpu.memref_squeeze %dma_start3A_115 : memref<1x8x4096xf32, #tpu.memory_space<hbm>> -> memref<8x4096xf32, #tpu.memory_space<hbm>>
      %dma_start3A_117 = tpu.memref_slice %arg6[%rem3A_92] : memref<3x!tpu.dma_semaphore, #tpu.memory_space<semaphore_mem>> -> memref<1x!tpu.dma_semaphore, #tpu.memory_space<semaphore_mem>>
      %dma_start3A_118 = tpu.memref_squeeze %dma_start3A_117 : memref<1x!tpu.dma_semaphore, #tpu.memory_space<semaphore_mem>> -> memref<!tpu.dma_semaphore, #tpu.memory_space<semaphore_mem>>
      %dma_start3A_119 = arith.constant 0 : i32
      %dma_start3A_120 = tpu.memref_slice %arg3[%div3A_106, %mul3A_110, %dma_start3A_119] : memref<268x64x4096xf32, #tpu.memory_space<hbm>> -> memref<1x8x4096xf32, #tpu.memory_space<hbm>>
      %dma_start3A_121 = tpu.memref_squeeze %dma_start3A_120 : memref<1x8x4096xf32, #tpu.memory_space<hbm>> -> memref<8x4096xf32, #tpu.memory_space<hbm>>
      %dma_start3A_122 = arith.constant 0 : i32
      %dma_start3A_123 = arith.constant 0 : i32
      %dma_start3A_124 = tpu.memref_slice %arg5[%rem3A_92, %dma_start3A_122, %dma_start3A_123] : memref<3x8x4096xf32, #tpu.memory_space<vmem>> -> memref<1x8x4096xf32, #tpu.memory_space<vmem>>
      %dma_start3A_125 = tpu.memref_squeeze %dma_start3A_124 : memref<1x8x4096xf32, #tpu.memory_space<vmem>> -> memref<8x4096xf32, #tpu.memory_space<vmem>>
      tpu.enqueue_dma source(%dma_start3A_125 : memref<8x4096xf32, #tpu.memory_space<vmem>>) target(%dma_start3A_121 : memref<8x4096xf32, #tpu.memory_space<hbm>>) target_semaphore(%dma_start3A_118 : memref<!tpu.dma_semaphore, #tpu.memory_space<semaphore_mem>>)
    }
    %scan3A_5 = arith.constant 67 : i32
    %mul3A_6 = arith.constant 67 : i32
    %mul3A_7 = arith.muli %add3A, %mul3A_6 : i32
    %add3A_8 = arith.constant 64 : i32
    %add3A_9 = arith.addi %mul3A_7, %add3A_8 : i32
    %div3A = arith.constant 8 : i32
    %div3A_10 = arith.divsi %add3A_9, %div3A : i32
    %rem3A = arith.constant 8 : i32
    %rem3A_11 = arith.remsi %add3A_9, %rem3A : i32
    %mul3A_12 = arith.constant 8 : i32
    %mul3A_13 = arith.muli %rem3A_11, %mul3A_12 : i32
    %dma_wait3A = arith.constant 1 : i32
    %dma_wait3A_14 = arith.constant 1 : i32
    %dma_wait3A_15 = arith.constant 0 : i32
    %dma_wait3A_16 = arith.constant 0 : i32
    %dma_wait3A_17 = tpu.memref_slice %arg5[%dma_wait3A, %dma_wait3A_15, %dma_wait3A_16] : memref<3x8x4096xf32, #tpu.memory_space<vmem>> -> memref<1x8x4096xf32, #tpu.memory_space<vmem>>
    %dma_wait3A_18 = tpu.memref_squeeze %dma_wait3A_17 : memref<1x8x4096xf32, #tpu.memory_space<vmem>> -> memref<8x4096xf32, #tpu.memory_space<vmem>>
    %dma_wait3A_19 = arith.constant 0 : i32
    %dma_wait3A_20 = tpu.memref_slice %arg3[%div3A_10, %mul3A_13, %dma_wait3A_19] : memref<268x64x4096xf32, #tpu.memory_space<hbm>> -> memref<1x8x4096xf32, #tpu.memory_space<hbm>>
    %dma_wait3A_21 = tpu.memref_squeeze %dma_wait3A_20 : memref<1x8x4096xf32, #tpu.memory_space<hbm>> -> memref<8x4096xf32, #tpu.memory_space<hbm>>
    %dma_wait3A_22 = tpu.memref_slice %arg6[%dma_wait3A_14] : memref<3x!tpu.dma_semaphore, #tpu.memory_space<semaphore_mem>> -> memref<1x!tpu.dma_semaphore, #tpu.memory_space<semaphore_mem>>
    %dma_wait3A_23 = tpu.memref_squeeze %dma_wait3A_22 : memref<1x!tpu.dma_semaphore, #tpu.memory_space<semaphore_mem>> -> memref<!tpu.dma_semaphore, #tpu.memory_space<semaphore_mem>>
    %dma_wait3A_24 = arith.constant 0 : i32
    %dma_wait3A_25 = tpu.memref_slice %arg3[%div3A_10, %mul3A_13, %dma_wait3A_24] : memref<268x64x4096xf32, #tpu.memory_space<hbm>> -> memref<1x8x4096xf32, #tpu.memory_space<hbm>>
    %dma_wait3A_26 = tpu.memref_squeeze %dma_wait3A_25 : memref<1x8x4096xf32, #tpu.memory_space<hbm>> -> memref<8x4096xf32, #tpu.memory_space<hbm>>
    %dma_wait3A_27 = arith.constant 0 : i32
    %dma_wait3A_28 = arith.constant 0 : i32
    %dma_wait3A_29 = tpu.memref_slice %arg5[%dma_wait3A, %dma_wait3A_27, %dma_wait3A_28] : memref<3x8x4096xf32, #tpu.memory_space<vmem>> -> memref<1x8x4096xf32, #tpu.memory_space<vmem>>
    %dma_wait3A_30 = tpu.memref_squeeze %dma_wait3A_29 : memref<1x8x4096xf32, #tpu.memory_space<vmem>> -> memref<8x4096xf32, #tpu.memory_space<vmem>>
    tpu.wait_dma2 semaphore(%dma_wait3A_23 : memref<!tpu.dma_semaphore, #tpu.memory_space<semaphore_mem>>) src(%dma_wait3A_30 : memref<8x4096xf32, #tpu.memory_space<vmem>>) dst(%dma_wait3A_26 : memref<8x4096xf32, #tpu.memory_space<hbm>>)
    %mul3A_31 = arith.constant 67 : i32
    %mul3A_32 = arith.muli %add3A, %mul3A_31 : i32
    %add3A_33 = arith.constant 65 : i32
    %add3A_34 = arith.addi %mul3A_32, %add3A_33 : i32
    %div3A_35 = arith.constant 8 : i32
    %div3A_36 = arith.divsi %add3A_34, %div3A_35 : i32
    %rem3A_37 = arith.constant 8 : i32
    %rem3A_38 = arith.remsi %add3A_34, %rem3A_37 : i32
    %mul3A_39 = arith.constant 8 : i32
    %mul3A_40 = arith.muli %rem3A_38, %mul3A_39 : i32
    %dma_wait3A_41 = arith.constant 2 : i32
    %dma_wait3A_42 = arith.constant 2 : i32
    %dma_wait3A_43 = arith.constant 0 : i32
    %dma_wait3A_44 = arith.constant 0 : i32
    %dma_wait3A_45 = tpu.memref_slice %arg5[%dma_wait3A_41, %dma_wait3A_43, %dma_wait3A_44] : memref<3x8x4096xf32, #tpu.memory_space<vmem>> -> memref<1x8x4096xf32, #tpu.memory_space<vmem>>
    %dma_wait3A_46 = tpu.memref_squeeze %dma_wait3A_45 : memref<1x8x4096xf32, #tpu.memory_space<vmem>> -> memref<8x4096xf32, #tpu.memory_space<vmem>>
    %dma_wait3A_47 = arith.constant 0 : i32
    %dma_wait3A_48 = tpu.memref_slice %arg3[%div3A_36, %mul3A_40, %dma_wait3A_47] : memref<268x64x4096xf32, #tpu.memory_space<hbm>> -> memref<1x8x4096xf32, #tpu.memory_space<hbm>>
    %dma_wait3A_49 = tpu.memref_squeeze %dma_wait3A_48 : memref<1x8x4096xf32, #tpu.memory_space<hbm>> -> memref<8x4096xf32, #tpu.memory_space<hbm>>
    %dma_wait3A_50 = tpu.memref_slice %arg6[%dma_wait3A_42] : memref<3x!tpu.dma_semaphore, #tpu.memory_space<semaphore_mem>> -> memref<1x!tpu.dma_semaphore, #tpu.memory_space<semaphore_mem>>
    %dma_wait3A_51 = tpu.memref_squeeze %dma_wait3A_50 : memref<1x!tpu.dma_semaphore, #tpu.memory_space<semaphore_mem>> -> memref<!tpu.dma_semaphore, #tpu.memory_space<semaphore_mem>>
    %dma_wait3A_52 = arith.constant 0 : i32
    %dma_wait3A_53 = tpu.memref_slice %arg3[%div3A_36, %mul3A_40, %dma_wait3A_52] : memref<268x64x4096xf32, #tpu.memory_space<hbm>> -> memref<1x8x4096xf32, #tpu.memory_space<hbm>>
    %dma_wait3A_54 = tpu.memref_squeeze %dma_wait3A_53 : memref<1x8x4096xf32, #tpu.memory_space<hbm>> -> memref<8x4096xf32, #tpu.memory_space<hbm>>
    %dma_wait3A_55 = arith.constant 0 : i32
    %dma_wait3A_56 = arith.constant 0 : i32
    %dma_wait3A_57 = tpu.memref_slice %arg5[%dma_wait3A_41, %dma_wait3A_55, %dma_wait3A_56] : memref<3x8x4096xf32, #tpu.memory_space<vmem>> -> memref<1x8x4096xf32, #tpu.memory_space<vmem>>
    %dma_wait3A_58 = tpu.memref_squeeze %dma_wait3A_57 : memref<1x8x4096xf32, #tpu.memory_space<vmem>> -> memref<8x4096xf32, #tpu.memory_space<vmem>>
    tpu.wait_dma2 semaphore(%dma_wait3A_51 : memref<!tpu.dma_semaphore, #tpu.memory_space<semaphore_mem>>) src(%dma_wait3A_58 : memref<8x4096xf32, #tpu.memory_space<vmem>>) dst(%dma_wait3A_54 : memref<8x4096xf32, #tpu.memory_space<hbm>>)
    %mul3A_59 = arith.constant 67 : i32
    %mul3A_60 = arith.muli %add3A, %mul3A_59 : i32
    %add3A_61 = arith.constant 66 : i32
    %add3A_62 = arith.addi %mul3A_60, %add3A_61 : i32
    %div3A_63 = arith.constant 8 : i32
    %div3A_64 = arith.divsi %add3A_62, %div3A_63 : i32
    %rem3A_65 = arith.constant 8 : i32
    %rem3A_66 = arith.remsi %add3A_62, %rem3A_65 : i32
    %mul3A_67 = arith.constant 8 : i32
    %mul3A_68 = arith.muli %rem3A_66, %mul3A_67 : i32
    %dma_wait3A_69 = arith.constant 0 : i32
    %dma_wait3A_70 = arith.constant 0 : i32
    %dma_wait3A_71 = arith.constant 0 : i32
    %dma_wait3A_72 = arith.constant 0 : i32
    %dma_wait3A_73 = tpu.memref_slice %arg5[%dma_wait3A_69, %dma_wait3A_71, %dma_wait3A_72] : memref<3x8x4096xf32, #tpu.memory_space<vmem>> -> memref<1x8x4096xf32, #tpu.memory_space<vmem>>
    %dma_wait3A_74 = tpu.memref_squeeze %dma_wait3A_73 : memref<1x8x4096xf32, #tpu.memory_space<vmem>> -> memref<8x4096xf32, #tpu.memory_space<vmem>>
    %dma_wait3A_75 = arith.constant 0 : i32
    %dma_wait3A_76 = tpu.memref_slice %arg3[%div3A_64, %mul3A_68, %dma_wait3A_75] : memref<268x64x4096xf32, #tpu.memory_space<hbm>> -> memref<1x8x4096xf32, #tpu.memory_space<hbm>>
    %dma_wait3A_77 = tpu.memref_squeeze %dma_wait3A_76 : memref<1x8x4096xf32, #tpu.memory_space<hbm>> -> memref<8x4096xf32, #tpu.memory_space<hbm>>
    %dma_wait3A_78 = tpu.memref_slice %arg6[%dma_wait3A_70] : memref<3x!tpu.dma_semaphore, #tpu.memory_space<semaphore_mem>> -> memref<1x!tpu.dma_semaphore, #tpu.memory_space<semaphore_mem>>
    %dma_wait3A_79 = tpu.memref_squeeze %dma_wait3A_78 : memref<1x!tpu.dma_semaphore, #tpu.memory_space<semaphore_mem>> -> memref<!tpu.dma_semaphore, #tpu.memory_space<semaphore_mem>>
    %dma_wait3A_80 = arith.constant 0 : i32
    %dma_wait3A_81 = tpu.memref_slice %arg3[%div3A_64, %mul3A_68, %dma_wait3A_80] : memref<268x64x4096xf32, #tpu.memory_space<hbm>> -> memref<1x8x4096xf32, #tpu.memory_space<hbm>>
    %dma_wait3A_82 = tpu.memref_squeeze %dma_wait3A_81 : memref<1x8x4096xf32, #tpu.memory_space<hbm>> -> memref<8x4096xf32, #tpu.memory_space<hbm>>
    %dma_wait3A_83 = arith.constant 0 : i32
    %dma_wait3A_84 = arith.constant 0 : i32
    %dma_wait3A_85 = tpu.memref_slice %arg5[%dma_wait3A_69, %dma_wait3A_83, %dma_wait3A_84] : memref<3x8x4096xf32, #tpu.memory_space<vmem>> -> memref<1x8x4096xf32, #tpu.memory_space<vmem>>
    %dma_wait3A_86 = tpu.memref_squeeze %dma_wait3A_85 : memref<1x8x4096xf32, #tpu.memory_space<vmem>> -> memref<8x4096xf32, #tpu.memory_space<vmem>>
    tpu.wait_dma2 semaphore(%dma_wait3A_79 : memref<!tpu.dma_semaphore, #tpu.memory_space<semaphore_mem>>) src(%dma_wait3A_86 : memref<8x4096xf32, #tpu.memory_space<vmem>>) dst(%dma_wait3A_82 : memref<8x4096xf32, #tpu.memory_space<hbm>>)
    return
  }
}

</mosaic_0001>

<sc_bundles>
// kernel: kernel.3.cloned.1.call-start
scs
__scs_entry_jumppad:
0x0: {  	(pc) =	sbr.rel $0x88, $3  }
0x1: {  	(tag) =	ssettag $0x0;
	lr =	simm.s32 $0x1  }
0x2: {  	[smem:$0x3FA0] =	sst lr;
	_ =	strace $0xD0000000  }
0x3: {  	_ = 	snop  }
0x4: {  	_ = 	snop  }
0x5: {  	_ = 	snop  }
0x6: {  	_ = 	snop  }
0x7: {  	_ = 	snop  }
__scs_overlays_trampoline_lowered:
0x8: {  	[smem:$0x3FAF] =	sst s0  }
0x9: {  	[smem:$0x3FB0] =	sst s1  }
0xa: {  	[smem:$0x3FB1] =	sst s2  }
0xb: {  	[smem:$0x3FB2] =	sst s3  }
0xc: {  	[smem:$0x3FB3] =	sst s4  }
0xd: {  	[smem:$0x3FB4] =	sst s5  }
0xe: {  	[smem:$0x3FB5] =	sst s6  }
0xf: {  	[smem:$0x3FB6] =	sst s7  }
0x10: {  	[smem:$0x3FB7] =	sst s8  }
0x11: {  	[smem:$0x3FB8] =	sst s9;
	s0 =	simm.s32 @!p0 $0x0  }
0x12: {  	s1 =	sld [smem:$0x3F9E];
	s0 =	simm.s32 @p0 $0x1  }
0x13: {  	[smem:$0x3FB9] =	sst s0;
	s0 =	simm.s32 @!p1 $0x0  }
0x14: {  	s2 =	sld [smem:$0x3F9D];
	s0 =	simm.s32 @p1 $0x1  }
0x15: {  	[smem:$0x3FBA] =	sst s0;
	s0 =	simm.s32 @!p2 $0x0  }
0x16: {  	s3 =	sld [smem:$0x3FDB];
	s0 =	simm.s32 @p2 $0x1  }
0x17: {  	s4 =	simm.s32 $0x1BF5;
	[smem:$0x3FBC] =	sst s0  }
0x18: {  	s0 =	sld [smem:$0x3F9F];
	_ =	swait.ge [sflag:s4], $0x0  }
0x19: {  	s7 =	sld [smem:$0x3FA0]  }
0x1a: {  	s8 =	sadd.s32 $0xFFFFE003, lr  }
0x1b: {  	s9 =	sadd.s32 $0xFFFFFEF7, lr;
	s5 =	simm.s32 $0xFFFFFFFF;
	p2 =	slt.u32 s8, $0xFFFFF086  }
0x1c: {  	p1 =	slt.u32 s9, $0xF7A;
	s5 =	simm.s32 @!p2 $0x0  }
0x1d: {  	s5 =	simm.s32 @p1 $0x1;
	p0 =	seq.s32 s7, s2  }
0x1e: {  	s7 =	smul.u32 @!p0 $0xF7A, s2;
	p2 =	seq.s32 @!p0 s5, $0x0  }
0x1f: {  	s9 =	smul.u32 $0xF7A, s1;
	s8 =	simm.s32 @!p0 $0x1BF5;
	p2 =	por !p2, p0  }
0x20: {  	[sflag:s8] =	ssyncset.s32 @!p0 $0xFFFFF086;
	s6 =	sadd.s32 @!p0 s3, s7;
	s7 =	simm.s32 @!p0 $0x108  }
0x21: {  	s3 =	sadd.s32 s3, s9;
	s6 =	sadd.s32 @!p0 $0x88, s6;
	s7 =	simm.s32 @p2 $0x1082  }
0x22: {  	[simem:s7], [sflag:s8] =	dma.local @!p0 [hbm:s6], $0xF7A  }
0x23: {  	s9 =	sor.u32 $0xD0000000, s2;
	s6 =	simm.s32 $0x108;
	_ =	swait.ge @!p0 [sflag:s8], $0x0  }
0x24: {  	s3 =	sadd.s32 $0x88, s3;
	s6 =	simm.s32 @!p1 $0x1082;
	[sflag:s4] =	ssyncset.s32 $0xFFFFF086  }
0x25: {  	[simem:s6], [sflag:s4] =	dma.local [hbm:s3], $0xF7A  }
0x26: {  	[smem:$0x3FA0] =	sst s1;
	(tag) =	ssettag s2;
	_ =	strace s9  }
0x27: {  	s1 =	sld [smem:$0x3FB0]  }
0x28: {  	s2 =	sld [smem:$0x3FB1]  }
0x29: {  	s4 =	sld [smem:$0x3FB3]  }
0x2a: {  	p0 =	seq.s32 s5, $0x0;
	s5 =	sld [smem:$0x3FB4]  }
0x2b: {  	s6 =	sld [smem:$0x3FB5]  }
0x2c: {  	s7 =	sld [smem:$0x3FB6]  }
0x2d: {  	s3 =	simm.s32 $0x108;
	s8 =	sld [smem:$0x3FB7]  }
0x2e: {  	s3 =	simm.s32 @!p0 $0x1082;
	s9 =	sld [smem:$0x3FB8]  }
0x2f: {  	lr =	sadd.s32 s0, s3;
	s0 =	sld [smem:$0x3FAF]  }
0x30: {  	s3 =	sld [smem:$0x3FB2]  }
0x31: {  	[smem:$0x3FBB] =	sst s10  }
0x32: {  	s10 =	sld [smem:$0x3FB9];
	_ =	sdelay $0x3  }
0x33: {  	p0 =	seq.s32 s10, $0x1;
	s10 =	sld [smem:$0x3FBB];
	_ =	sdelay $0x3  }
0x34: {  	[smem:$0x3FBB] =	sst s10  }
0x35: {  	s10 =	sld [smem:$0x3FBA];
	_ =	sdelay $0x3  }
0x36: {  	p1 =	seq.s32 s10, $0x1;
	s10 =	sld [smem:$0x3FBB];
	_ =	sdelay $0x3  }
0x37: {  	[smem:$0x3FBB] =	sst s10  }
0x38: {  	s10 =	sld [smem:$0x3FBC]  }
0x39: {  	_ = 	snop;
	(pc) =	sbr.ind lr, $3  }
0x3a: {  	_ = 	snop  }
0x3b: {  	_ = 	snop  }
0x3c: {  	p2 =	seq.s32 s10, $0x1;
	s10 =	sld [smem:$0x3FBB]  }
0x3d: {  	_ =	shalt  }
0x3e: {  	_ =	shalt  }
0x3f: {  	_ =	shalt  }
0x40: {  	_ =	shalt  }
0x41: {  	_ =	shalt  }
0x42: {  	_ =	shalt  }
0x43: {  	_ =	shalt  }
0x44: {  	_ =	shalt  }
0x45: {  	_ =	shalt  }
0x46: {  	_ =	shalt  }
0x47: {  	_ =	shalt  }
0x48: {  	_ =	shalt  }
0x49: {  	_ =	shalt  }
0x4a: {  	_ =	shalt  }
0x4b: {  	_ =	shalt  }
0x4c: {  	_ =	shalt  }
0x4d: {  	_ =	shalt  }
0x4e: {  	_ =	shalt  }
0x4f: {  	_ =	shalt  }
0x50: {  	_ =	shalt  }
0x51: {  	_ =	shalt  }
0x52: {  	_ =	shalt  }
0x53: {  	_ =	shalt  }
0x54: {  	_ =	shalt  }
0x55: {  	_ =	shalt  }
0x56: {  	_ =	shalt  }
0x57: {  	_ =	shalt  }
0x58: {  	_ =	shalt  }
0x59: {  	_ =	shalt  }
0x5a: {  	_ =	shalt  }
0x5b: {  	_ =	shalt  }
0x5c: {  	_ =	shalt  }
0x5d: {  	_ =	shalt  }
0x5e: {  	_ =	shalt  }
0x5f: {  	_ =	shalt  }
0x60: {  	_ =	shalt  }
0x61: {  	_ =	shalt  }
0x62: {  	_ =	shalt  }
0x63: {  	_ =	shalt  }
0x64: {  	_ =	shalt  }
0x65: {  	_ =	shalt  }
0x66: {  	_ =	shalt  }
0x67: {  	_ =	shalt  }
0x68: {  	_ =	shalt  }
0x69: {  	_ =	shalt  }
0x6a: {  	_ =	shalt  }
0x6b: {  	_ =	shalt  }
0x6c: {  	_ =	shalt  }
0x6d: {  	_ =	shalt  }
0x6e: {  	_ =	shalt  }
0x6f: {  	_ =	shalt  }
0x70: {  	_ =	shalt  }
0x71: {  	_ =	shalt  }
0x72: {  	_ =	shalt  }
0x73: {  	_ =	shalt  }
0x74: {  	_ =	shalt  }
0x75: {  	_ =	shalt  }
0x76: {  	_ =	shalt  }
0x77: {  	_ =	shalt  }
0x78: {  	_ =	shalt  }
0x79: {  	_ =	shalt  }
0x7a: {  	_ =	shalt  }
0x7b: {  	_ =	shalt  }
0x7c: {  	_ =	shalt  }
0x7d: {  	_ =	shalt  }
0x7e: {  	_ =	shalt  }
0x7f: {  	_ =	shalt  }
0x80: {  	_ =	shalt  }
0x81: {  	_ =	shalt  }
0x82: {  	_ =	shalt  }
0x83: {  	_ =	shalt  }
0x84: {  	_ =	shalt  }
0x85: {  	_ =	shalt  }
0x86: {  	_ =	shalt  }
0x87: {  	_ =	shalt  }
.Lfunc_end0:
.L_simem_size_0:
called_computation_lowered:
.L_overlay_start_0:
0x88: {  	s2 =	sld [smem:$0x3FD9]  }
0x89: {  	s3 =	sld [smem:$0x3FFE];
	_ =	sdelay $0x1  }
0x8a: {  	s1 =	srdreg.scid  }
0x8b: {  	s0 =	sand.u32 $0x1, s1  }
0x8c: {  	s17 =	sshll.u32 s0, $0xA;
	s2 =	sadd.s32 s3, s2  }
0x8d: {  	s2 =	sadd.s32 s2, s17  }
0x8e: {  	[smem:$0x3FC7] =	sst s2  }
0x8f: {  	_ = 	snop  }
0x90: {  	s2 =	sld [smem:$0x3FD0];
	(tm) =	ssettm $0x1  }
0x91: {  	s18 =	sld [smem:$0x3FFB];
	_ =	sdelay $0x3  }
0x92: {  	_ =	strace s18  }
0x93: {  	s3 =	sld [smem:$0x3FFC];
	_ =	sdelay $0x3  }
0x94: {  	_ =	strace s3  }
0x95: {  	s3 =	sld [smem:$0x3FFD];
	_ =	sdelay $0x3  }
0x96: {  	_ =	strace s3  }
0x97: {  	_ =	strace $0x8FFFFFFF  }
0x98: {  	s19 =	sld [smem:$0x3FDB];
	_ =	sdelay $0x1  }
0x99: {  	s4 =	simm.s32 $_scs_section_size  }
0x9a: {  	s5 =	simm.s32 $_size__tile_overlayer_lowered;
	s6 =	simm.s32 $_tile_overlayer_lowered  }
0x9b: {  	s22 =	simm.s32 $0x1BFF;
	s21 =	sshll.u32 s6, $0x1;
	s3 =	sadd.s32 s4, s19  }
0x9c: {  	s7 =	simm.s32 $0x0;
	s20 =	sshll.u32 s5, $0x1;
	s5 =	sadd.s32 s21, s3  }
0x9d: {  	[timem:s7], [sflag:s22] =	dma.local [hbm:s5], s20  }
0x9e: {  	_ =	swait.ge [sflag:s22], s20  }
0x9f: {  	s4 =	ssub.s32 $0x0, s20;
	[sflag:s22] =	ssyncset.done $0x0  }
0xa0: {  	[sflag:s22] =	ssyncadd.s32 s4;
	_ =	sdelay $0x1  }
0xa1: {  	s23 =	simm.s32 $0x1B8B  }
0xa2: {  	_ =	swait.ge [sflag:s23], $0x1  }
0xa3: {  	[sflag:s23] =	ssyncset.done $0x0  }
0xa4: {  	s25 =	simm.s32 $0x1B8E;
	s24 =	sld [smem:$0x3FFE];
	[sflag:s23] =	ssyncadd.s32 $0xFFFFFFFF  }
0xa5: {  	s26 =	simm.s32 $execute0_lowered;
	[smem:$0x3FD2] =	sst s25  }
0xa6: {  	s5 =	sshll.u32 s26, $0x1;
	_ =	strace $0x80000046;
	[dreg:$0x1] =	wrdreg $0xFFFFFFFF  }
0xa7: {  	s28 =	simm.s32 $_size_execute0_lowered;
	s3 =	sadd.s32 s3, s5;
	[dreg:$0x0] =	wrdreg $0x0  }
0xa8: {  	s5 =	sshll.u32 s28, $0x1;
	[dreg:$0x2] =	wrdreg s3  }
0xa9: {  	[dreg:$0x3] =	wrdreg s5  }
0xaa: {  	[dreg:$0x4] =	wrdreg $0xC0  }
0xab: {  	_ =	task [dreg:s7], $0x5FFFF  }
0xac: {  	[dreg:$0x1] =	wrdreg $0xFFFFFFFF  }
0xad: {  	[dreg:$0x0] =	wrdreg $0x60  }
0xae: {  	[dreg:$0x2] =	wrdreg s24  }
0xaf: {  	[dreg:$0x3] =	wrdreg s2  }
0xb0: {  	[dreg:$0x4] =	wrdreg $0x9  }
0xb1: {  	_ =	task.clear_ibuf [dreg:s7], $0x5FFFF;
	_ =	strace $0x90000046  }
0xb2: {  	s29 =	simm.s32 $0x9;
	_ =	strace $0x80000048  }
0xb3: {  	_ =	swait.ge [sflag:s29], $0x1  }
0xb4: {  	[sflag:s29] =	ssyncadd.s32 $0xFFFFFFFF  }
0xb5: {  	_ =	strace $0x90000048  }
0xb6: {  	_ =	sfence  }
0xb7: {  	s30 =	sld [smem:$0x0];
	_ =	sdelay $0x2  }
0xb8: {  	s31 =	sshll.u32 s1, $0xD;
	s1 =	sshrl.u32 s1, $0x2  }
0xb9: {  	s3 =	sand.u32 $0x4000, s31;
	s1 =	sadd.s32 s1, s30  }
0xba: {  	s0 =	sor.u32 s3, s0;
	s1 =	sshll.u32 s1, $0x11  }
0xbb: {  	s0 =	sor.u32 s1, s0  }
0xbc: {  	s0 =	sadd.s32 $0x8F2B, s0  }
0xbd: {  	[sflag:s0] =	ssyncadd.remote.s32 $0x1  }
0xbe: {  	_ =	sfence.sel $0xFFFF  }
0xbf: {  	[dreg:$0x0] =	wrdreg $0xFFFFFFFF;
	(pc) =	sbr.abs _section_cstart, $3  }
0xc0: {  	[dreg:$0x1] =	wrdreg $0xFFFFFFFF  }
0xc1: {  	_ =	task.clear_ibuf [dreg:s7], $0x2FFFF;
	_ =	strace $0x9FFFFFFF  }
0xc2: {  	(tm) =	ssettm $0x7FFFFFFF  }
0xc3: {  	_ =	shalt  }
tec
execute0_lowered:
.L_overlay_start_1:
0x0: {  	(tag) =	ssettag $0x1  }
0x1: {  	s4 =	rddreg [dreg:$0x0]  }
0x2: {  	s1 =	rddreg [dreg:$0x1]  }
0x3: {  	s0 =	rddreg [dreg:$0x2];
	s3 =	simm.s32 $0x0  }
0x4: {  	s2 =	srdreg.scid;
	s8 =	simm.s32 $0x2;
	s9 =	simm.s32 $0x3  }
0x5: {  	s10 =	simm.s32 $0x1;
	s11 =	simm.s32 $0x0;
	s5 =	sand.u32 $0x1, s2  }
0x6: {  	[smem:$0x7FF] =	sst s3;
	s2 =	stileid.u32;
	s6 =	ssub.s32 $0x2, s5  }
0x7: {  	s4 =	sadd.s32 $0x400, s4;
	s5 =	sshll.u32 s5, $0x4;
	s7 =	sshrl.u32 s6, $0x1  }
0x8: {  	_ =	strace $0x80000047;
	s5 =	sor.u32 s2, s5;
	s6 =	ssub.s32 s6, s7  }
0x9: {  	s5 =	smul.u32 $0x43, s5;
	s7 =	simm.s32 $0x4;
	s6 =	smax.u32 s6, $0x1  }
.LBB2_1:
0xa: {  	[tilespmem:s3], [sflag:$0x4] =	stream.linear.gather [hbm4b:s4+s3], $0x4300, $0x38;
	[tilespmem:$0x1C380] =	vst v63  }
0xb: {  	_ =	swait.ge [sflag:s7], $0x4300  }
0xc: {  	[sflag:s7] =	ssyncset.done $0x0  }
0xd: {  	s12 =	simm.s32 $0x4380;
	s13 =	simm.s32 $0x0;
	[sflag:s7] =	ssyncadd.s32 $0xFFFFBD00  }
.LBB2_2:
0xe: {  	s14 =	smul.u32 $0xAB, s13;
	_ =	sdelay $0x1  }
0xf: {  	s14 =	sshrl.u32 s14, $0x9  }
0x10: {  	s14 =	sand.u32 $0x7F, s14  }
0x11: {  	s14 =	smul.u32 $0x3, s14;
	_ =	sdelay $0x1  }
0x12: {  	s14 =	ssub.s32 s13, s14  }
0x13: {  	s15 =	smulhi.u32 $0xAAAAAAAB, s13;
	p0 =	slt.u32 s13, $0x3;
	s14 =	sand.u32 $0xFF, s14  }
0x14: {  	s16 =	sadd.s32 @!p0 $0x1, s14  }
0x15: {  	s17 =	sshrl.u32 s15, $0x1;
	s15 =	sadd.s32 s5, s13;
	_ =	swait.ge @!p0 [sflag:s16], $0x8000  }
0x16: {  	s17 =	smul.u32 $0xFFFA0000, s17;
	s18 =	sshll.u32 s15, $0x3;
	[sflag:s16] =	ssyncset.done @!p0 $0x0  }
0x17: {  	s29 =	sand.u32 $0x3FFFFFF8, s18;
	[sflag:s16] =	ssyncadd.s32 @!p0 $0xFFFF8000  }
0x18: {  	s17 =	sshra.s32 s17, $0x2;
	v8 =	vld [tilespmem:s29+$0x0]  }
0x19: {  	s30 =	sadd.s32 s17, s12  }
0x1a: {  	v0 =	vmov s30;
	_ =	sdelay $0x2  }
0x1b: {  	v1 =	vbroadcast v8, $0x0  }
0x1c: {  	s16 =	simm.s32 $0x0  }
0x1d: {  	[tilespmem:v0+s16+$0x0 ss:$0x1] =	vst.idx.msk $0xffff, v1  }
0x1e: {  	[tilespmem:v0+s16+$0x400 ss:$0x1] =	vst.idx.msk $0xffff, v1  }
0x1f: {  	[tilespmem:v0+s16+$0x410 ss:$0x1] =	vst.idx.msk $0xffff, v1  }
0x20: {  	[tilespmem:v0+s16+$0x10 ss:$0x1] =	vst.idx.msk $0xffff, v1  }
0x21: {  	[tilespmem:v0+s16+$0x20 ss:$0x1] =	vst.idx.msk $0xffff, v1  }
0x22: {  	[tilespmem:v0+s16+$0x420 ss:$0x1] =	vst.idx.msk $0xffff, v1  }
0x23: {  	[tilespmem:v0+s16+$0x430 ss:$0x1] =	vst.idx.msk $0xffff, v1  }
0x24: {  	[tilespmem:v0+s16+$0x30 ss:$0x1] =	vst.idx.msk $0xffff, v1  }
0x25: {  	[tilespmem:v0+s16+$0x440 ss:$0x1] =	vst.idx.msk $0xffff, v1  }
0x26: {  	[tilespmem:v0+s16+$0x40 ss:$0x1] =	vst.idx.msk $0xffff, v1  }
0x27: {  	[tilespmem:v0+s16+$0x450 ss:$0x1] =	vst.idx.msk $0xffff, v1  }
0x28: {  	[tilespmem:v0+s16+$0x50 ss:$0x1] =	vst.idx.msk $0xffff, v1  }
0x29: {  	[tilespmem:v0+s16+$0x460 ss:$0x1] =	vst.idx.msk $0xffff, v1  }
0x2a: {  	[tilespmem:v0+s16+$0x60 ss:$0x1] =	vst.idx.msk $0xffff, v1  }
0x2b: {  	v2 =	vbroadcast v8, $0x1;
	[tilespmem:v0+s16+$0x470 ss:$0x1] =	vst.idx.msk $0xffff, v1  }
0x2c: {  	[tilespmem:v0+s16+$0x70 ss:$0x1] =	vst.idx.msk $0xffff, v1  }
0x2d: {  	[tilespmem:v0+s16+$0x480 ss:$0x1] =	vst.idx.msk $0xffff, v2  }
0x2e: {  	[tilespmem:v0+s16+$0x80 ss:$0x1] =	vst.idx.msk $0xffff, v2  }
0x2f: {  	[tilespmem:v0+s16+$0x490 ss:$0x1] =	vst.idx.msk $0xffff, v2  }
0x30: {  	[tilespmem:v0+s16+$0x90 ss:$0x1] =	vst.idx.msk $0xffff, v2  }
0x31: {  	[tilespmem:v0+s16+$0x4A0 ss:$0x1] =	vst.idx.msk $0xffff, v2  }
0x32: {  	[tilespmem:v0+s16+$0xA0 ss:$0x1] =	vst.idx.msk $0xffff, v2  }
0x33: {  	[tilespmem:v0+s16+$0x4B0 ss:$0x1] =	vst.idx.msk $0xffff, v2  }
0x34: {  	[tilespmem:v0+s16+$0xB0 ss:$0x1] =	vst.idx.msk $0xffff, v2  }
0x35: {  	[tilespmem:v0+s16+$0x4C0 ss:$0x1] =	vst.idx.msk $0xffff, v2  }
0x36: {  	[tilespmem:v0+s16+$0xC0 ss:$0x1] =	vst.idx.msk $0xffff, v2  }
0x37: {  	[tilespmem:v0+s16+$0x4D0 ss:$0x1] =	vst.idx.msk $0xffff, v2  }
0x38: {  	[tilespmem:v0+s16+$0xD0 ss:$0x1] =	vst.idx.msk $0xffff, v2  }
0x39: {  	[tilespmem:v0+s16+$0x4E0 ss:$0x1] =	vst.idx.msk $0xffff, v2  }
0x3a: {  	[tilespmem:v0+s16+$0xE0 ss:$0x1] =	vst.idx.msk $0xffff, v2  }
0x3b: {  	v3 =	vbroadcast v8, $0x2;
	[tilespmem:v0+s16+$0x4F0 ss:$0x1] =	vst.idx.msk $0xffff, v2  }
0x3c: {  	[tilespmem:v0+s16+$0xF0 ss:$0x1] =	vst.idx.msk $0xffff, v2  }
0x3d: {  	[tilespmem:v0+s16+$0x500 ss:$0x1] =	vst.idx.msk $0xffff, v3  }
0x3e: {  	[tilespmem:v0+s16+$0x100 ss:$0x1] =	vst.idx.msk $0xffff, v3  }
0x3f: {  	[tilespmem:v0+s16+$0x510 ss:$0x1] =	vst.idx.msk $0xffff, v3  }
0x40: {  	[tilespmem:v0+s16+$0x110 ss:$0x1] =	vst.idx.msk $0xffff, v3  }
0x41: {  	[tilespmem:v0+s16+$0x520 ss:$0x1] =	vst.idx.msk $0xffff, v3  }
0x42: {  	[tilespmem:v0+s16+$0x120 ss:$0x1] =	vst.idx.msk $0xffff, v3  }
0x43: {  	[tilespmem:v0+s16+$0x530 ss:$0x1] =	vst.idx.msk $0xffff, v3  }
0x44: {  	[tilespmem:v0+s16+$0x130 ss:$0x1] =	vst.idx.msk $0xffff, v3  }
0x45: {  	[tilespmem:v0+s16+$0x540 ss:$0x1] =	vst.idx.msk $0xffff, v3  }
0x46: {  	[tilespmem:v0+s16+$0x140 ss:$0x1] =	vst.idx.msk $0xffff, v3  }
0x47: {  	[tilespmem:v0+s16+$0x550 ss:$0x1] =	vst.idx.msk $0xffff, v3  }
0x48: {  	[tilespmem:v0+s16+$0x150 ss:$0x1] =	vst.idx.msk $0xffff, v3  }
0x49: {  	[tilespmem:v0+s16+$0x560 ss:$0x1] =	vst.idx.msk $0xffff, v3  }
0x4a: {  	[tilespmem:v0+s16+$0x160 ss:$0x1] =	vst.idx.msk $0xffff, v3  }
0x4b: {  	v4 =	vbroadcast v8, $0x3;
	[tilespmem:v0+s16+$0x570 ss:$0x1] =	vst.idx.msk $0xffff, v3  }
0x4c: {  	[tilespmem:v0+s16+$0x170 ss:$0x1] =	vst.idx.msk $0xffff, v3  }
0x4d: {  	[tilespmem:v0+s16+$0x580 ss:$0x1] =	vst.idx.msk $0xffff, v4  }
0x4e: {  	[tilespmem:v0+s16+$0x180 ss:$0x1] =	vst.idx.msk $0xffff, v4  }
0x4f: {  	[tilespmem:v0+s16+$0x590 ss:$0x1] =	vst.idx.msk $0xffff, v4  }
0x50: {  	[tilespmem:v0+s16+$0x190 ss:$0x1] =	vst.idx.msk $0xffff, v4  }
0x51: {  	[tilespmem:v0+s16+$0x5A0 ss:$0x1] =	vst.idx.msk $0xffff, v4  }
0x52: {  	[tilespmem:v0+s16+$0x1A0 ss:$0x1] =	vst.idx.msk $0xffff, v4  }
0x53: {  	[tilespmem:v0+s16+$0x5B0 ss:$0x1] =	vst.idx.msk $0xffff, v4  }
0x54: {  	[tilespmem:v0+s16+$0x1B0 ss:$0x1] =	vst.idx.msk $0xffff, v4  }
0x55: {  	[tilespmem:v0+s16+$0x5C0 ss:$0x1] =	vst.idx.msk $0xffff, v4  }
0x56: {  	[tilespmem:v0+s16+$0x1C0 ss:$0x1] =	vst.idx.msk $0xffff, v4  }
0x57: {  	[tilespmem:v0+s16+$0x5D0 ss:$0x1] =	vst.idx.msk $0xffff, v4  }
0x58: {  	[tilespmem:v0+s16+$0x1D0 ss:$0x1] =	vst.idx.msk $0xffff, v4  }
0x59: {  	[tilespmem:v0+s16+$0x5E0 ss:$0x1] =	vst.idx.msk $0xffff, v4  }
0x5a: {  	[tilespmem:v0+s16+$0x1E0 ss:$0x1] =	vst.idx.msk $0xffff, v4  }
0x5b: {  	v5 =	vbroadcast v8, $0x4;
	[tilespmem:v0+s16+$0x5F0 ss:$0x1] =	vst.idx.msk $0xffff, v4  }
0x5c: {  	[tilespmem:v0+s16+$0x1F0 ss:$0x1] =	vst.idx.msk $0xffff, v4  }
0x5d: {  	[tilespmem:v0+s16+$0x600 ss:$0x1] =	vst.idx.msk $0xffff, v5  }
0x5e: {  	[tilespmem:v0+s16+$0x200 ss:$0x1] =	vst.idx.msk $0xffff, v5  }
0x5f: {  	[tilespmem:v0+s16+$0x610 ss:$0x1] =	vst.idx.msk $0xffff, v5  }
0x60: {  	[tilespmem:v0+s16+$0x210 ss:$0x1] =	vst.idx.msk $0xffff, v5  }
0x61: {  	[tilespmem:v0+s16+$0x620 ss:$0x1] =	vst.idx.msk $0xffff, v5  }
0x62: {  	[tilespmem:v0+s16+$0x220 ss:$0x1] =	vst.idx.msk $0xffff, v5  }
0x63: {  	[tilespmem:v0+s16+$0x630 ss:$0x1] =	vst.idx.msk $0xffff, v5  }
0x64: {  	[tilespmem:v0+s16+$0x230 ss:$0x1] =	vst.idx.msk $0xffff, v5  }
0x65: {  	[tilespmem:v0+s16+$0x640 ss:$0x1] =	vst.idx.msk $0xffff, v5  }
0x66: {  	[tilespmem:v0+s16+$0x240 ss:$0x1] =	vst.idx.msk $0xffff, v5  }
0x67: {  	[tilespmem:v0+s16+$0x650 ss:$0x1] =	vst.idx.msk $0xffff, v5  }
0x68: {  	[tilespmem:v0+s16+$0x250 ss:$0x1] =	vst.idx.msk $0xffff, v5  }
0x69: {  	[tilespmem:v0+s16+$0x660 ss:$0x1] =	vst.idx.msk $0xffff, v5  }
0x6a: {  	[tilespmem:v0+s16+$0x260 ss:$0x1] =	vst.idx.msk $0xffff, v5  }
0x6b: {  	v6 =	vbroadcast v8, $0x5;
	[tilespmem:v0+s16+$0x670 ss:$0x1] =	vst.idx.msk $0xffff, v5  }
0x6c: {  	[tilespmem:v0+s16+$0x270 ss:$0x1] =	vst.idx.msk $0xffff, v5  }
0x6d: {  	[tilespmem:v0+s16+$0x680 ss:$0x1] =	vst.idx.msk $0xffff, v6  }
0x6e: {  	[tilespmem:v0+s16+$0x280 ss:$0x1] =	vst.idx.msk $0xffff, v6  }
0x6f: {  	[tilespmem:v0+s16+$0x690 ss:$0x1] =	vst.idx.msk $0xffff, v6  }
0x70: {  	[tilespmem:v0+s16+$0x290 ss:$0x1] =	vst.idx.msk $0xffff, v6  }
0x71: {  	[tilespmem:v0+s16+$0x6A0 ss:$0x1] =	vst.idx.msk $0xffff, v6  }
0x72: {  	[tilespmem:v0+s16+$0x2A0 ss:$0x1] =	vst.idx.msk $0xffff, v6  }
0x73: {  	[tilespmem:v0+s16+$0x6B0 ss:$0x1] =	vst.idx.msk $0xffff, v6  }
0x74: {  	[tilespmem:v0+s16+$0x2B0 ss:$0x1] =	vst.idx.msk $0xffff, v6  }
0x75: {  	[tilespmem:v0+s16+$0x6C0 ss:$0x1] =	vst.idx.msk $0xffff, v6  }
0x76: {  	[tilespmem:v0+s16+$0x2C0 ss:$0x1] =	vst.idx.msk $0xffff, v6  }
0x77: {  	[tilespmem:v0+s16+$0x6D0 ss:$0x1] =	vst.idx.msk $0xffff, v6  }
0x78: {  	[tilespmem:v0+s16+$0x2D0 ss:$0x1] =	vst.idx.msk $0xffff, v6  }
0x79: {  	[tilespmem:v0+s16+$0x6E0 ss:$0x1] =	vst.idx.msk $0xffff, v6  }
0x7a: {  	[tilespmem:v0+s16+$0x2E0 ss:$0x1] =	vst.idx.msk $0xffff, v6  }
0x7b: {  	v7 =	vbroadcast v8, $0x6;
	[tilespmem:v0+s16+$0x6F0 ss:$0x1] =	vst.idx.msk $0xffff, v6  }
0x7c: {  	[tilespmem:v0+s16+$0x2F0 ss:$0x1] =	vst.idx.msk $0xffff, v6  }
0x7d: {  	[tilespmem:v0+s16+$0x700 ss:$0x1] =	vst.idx.msk $0xffff, v7  }
0x7e: {  	[tilespmem:v0+s16+$0x300 ss:$0x1] =	vst.idx.msk $0xffff, v7  }
0x7f: {  	[tilespmem:v0+s16+$0x710 ss:$0x1] =	vst.idx.msk $0xffff, v7  }
0x80: {  	[tilespmem:v0+s16+$0x310 ss:$0x1] =	vst.idx.msk $0xffff, v7  }
0x81: {  	[tilespmem:v0+s16+$0x720 ss:$0x1] =	vst.idx.msk $0xffff, v7  }
0x82: {  	[tilespmem:v0+s16+$0x320 ss:$0x1] =	vst.idx.msk $0xffff, v7  }
0x83: {  	[tilespmem:v0+s16+$0x730 ss:$0x1] =	vst.idx.msk $0xffff, v7  }
0x84: {  	[tilespmem:v0+s16+$0x330 ss:$0x1] =	vst.idx.msk $0xffff, v7  }
0x85: {  	[tilespmem:v0+s16+$0x740 ss:$0x1] =	vst.idx.msk $0xffff, v7  }
0x86: {  	[tilespmem:v0+s16+$0x340 ss:$0x1] =	vst.idx.msk $0xffff, v7  }
0x87: {  	[tilespmem:v0+s16+$0x750 ss:$0x1] =	vst.idx.msk $0xffff, v7  }
0x88: {  	[tilespmem:v0+s16+$0x350 ss:$0x1] =	vst.idx.msk $0xffff, v7  }
0x89: {  	[tilespmem:v0+s16+$0x760 ss:$0x1] =	vst.idx.msk $0xffff, v7  }
0x8a: {  	[tilespmem:v0+s16+$0x360 ss:$0x1] =	vst.idx.msk $0xffff, v7  }
0x8b: {  	v8 =	vbroadcast v8, $0x7;
	[tilespmem:v0+s16+$0x770 ss:$0x1] =	vst.idx.msk $0xffff, v7  }
0x8c: {  	[tilespmem:v0+s16+$0x370 ss:$0x1] =	vst.idx.msk $0xffff, v7  }
0x8d: {  	[tilespmem:v0+s16+$0x780 ss:$0x1] =	vst.idx.msk $0xffff, v8  }
0x8e: {  	[tilespmem:v0+s16+$0x380 ss:$0x1] =	vst.idx.msk $0xffff, v8  }
0x8f: {  	[tilespmem:v0+s16+$0x790 ss:$0x1] =	vst.idx.msk $0xffff, v8  }
0x90: {  	[tilespmem:v0+s16+$0x390 ss:$0x1] =	vst.idx.msk $0xffff, v8  }
0x91: {  	[tilespmem:v0+s16+$0x7A0 ss:$0x1] =	vst.idx.msk $0xffff, v8  }
0x92: {  	[tilespmem:v0+s16+$0x3A0 ss:$0x1] =	vst.idx.msk $0xffff, v8  }
0x93: {  	[tilespmem:v0+s16+$0x7B0 ss:$0x1] =	vst.idx.msk $0xffff, v8  }
0x94: {  	[tilespmem:v0+s16+$0x3B0 ss:$0x1] =	vst.idx.msk $0xffff, v8  }
0x95: {  	[tilespmem:v0+s16+$0x7C0 ss:$0x1] =	vst.idx.msk $0xffff, v8  }
0x96: {  	[tilespmem:v0+s16+$0x3C0 ss:$0x1] =	vst.idx.msk $0xffff, v8  }
0x97: {  	[tilespmem:v0+s16+$0x7D0 ss:$0x1] =	vst.idx.msk $0xffff, v8  }
0x98: {  	[tilespmem:v0+s16+$0x3D0 ss:$0x1] =	vst.idx.msk $0xffff, v8  }
0x99: {  	[tilespmem:v0+s16+$0x7E0 ss:$0x1] =	vst.idx.msk $0xffff, v8  }
0x9a: {  	s31 =	sshll.u32 s14, $0xF;
	[tilespmem:v0+s16+$0x3E0 ss:$0x1] =	vst.idx.msk $0xffff, v8  }
0x9b: {  	s18 =	simm.s32 $0x2000;
	s17 =	sor.u32 $0x4380, s31;
	[tilespmem:v0+s16+$0x7F0 ss:$0x1] =	vst.idx.msk $0xffff, v8  }
.LBB2_3:
0x9c: {  	p0 =	sne.s32 s18, $0x1E000;
	[tilespmem:v0+s16+$0x3F0 ss:$0x1] =	vst.idx.msk $0xffff, v8;
	s16 =	sshra.s32 s18, $0x2;
	s18 =	sadd.s32 $0x2000, s18  }
0x9d: {  	[tilespmem:v0+s16+$0x0 ss:$0x1] =	vst.idx.msk $0xffff, v1  }
0x9e: {  	[tilespmem:v0+s16+$0x400 ss:$0x1] =	vst.idx.msk $0xffff, v1  }
0x9f: {  	[tilespmem:v0+s16+$0x410 ss:$0x1] =	vst.idx.msk $0xffff, v1  }
0xa0: {  	[tilespmem:v0+s16+$0x10 ss:$0x1] =	vst.idx.msk $0xffff, v1  }
0xa1: {  	[tilespmem:v0+s16+$0x20 ss:$0x1] =	vst.idx.msk $0xffff, v1  }
0xa2: {  	[tilespmem:v0+s16+$0x420 ss:$0x1] =	vst.idx.msk $0xffff, v1  }
0xa3: {  	[tilespmem:v0+s16+$0x430 ss:$0x1] =	vst.idx.msk $0xffff, v1  }
0xa4: {  	[tilespmem:v0+s16+$0x440 ss:$0x1] =	vst.idx.msk $0xffff, v1  }
0xa5: {  	[tilespmem:v0+s16+$0x450 ss:$0x1] =	vst.idx.msk $0xffff, v1  }
0xa6: {  	[tilespmem:v0+s16+$0x460 ss:$0x1] =	vst.idx.msk $0xffff, v1  }
0xa7: {  	[tilespmem:v0+s16+$0x470 ss:$0x1] =	vst.idx.msk $0xffff, v1  }
0xa8: {  	[tilespmem:v0+s16+$0x480 ss:$0x1] =	vst.idx.msk $0xffff, v2  }
0xa9: {  	[tilespmem:v0+s16+$0x490 ss:$0x1] =	vst.idx.msk $0xffff, v2  }
0xaa: {  	[tilespmem:v0+s16+$0x4A0 ss:$0x1] =	vst.idx.msk $0xffff, v2  }
0xab: {  	[tilespmem:v0+s16+$0x4B0 ss:$0x1] =	vst.idx.msk $0xffff, v2  }
0xac: {  	[tilespmem:v0+s16+$0x4C0 ss:$0x1] =	vst.idx.msk $0xffff, v2  }
0xad: {  	[tilespmem:v0+s16+$0x4D0 ss:$0x1] =	vst.idx.msk $0xffff, v2  }
0xae: {  	[tilespmem:v0+s16+$0x4E0 ss:$0x1] =	vst.idx.msk $0xffff, v2  }
0xaf: {  	[tilespmem:v0+s16+$0x4F0 ss:$0x1] =	vst.idx.msk $0xffff, v2  }
0xb0: {  	[tilespmem:v0+s16+$0x500 ss:$0x1] =	vst.idx.msk $0xffff, v3  }
0xb1: {  	[tilespmem:v0+s16+$0x510 ss:$0x1] =	vst.idx.msk $0xffff, v3  }
0xb2: {  	[tilespmem:v0+s16+$0x520 ss:$0x1] =	vst.idx.msk $0xffff, v3  }
0xb3: {  	[tilespmem:v0+s16+$0x530 ss:$0x1] =	vst.idx.msk $0xffff, v3  }
0xb4: {  	[tilespmem:v0+s16+$0x540 ss:$0x1] =	vst.idx.msk $0xffff, v3  }
0xb5: {  	[tilespmem:v0+s16+$0x550 ss:$0x1] =	vst.idx.msk $0xffff, v3  }
0xb6: {  	[tilespmem:v0+s16+$0x560 ss:$0x1] =	vst.idx.msk $0xffff, v3  }
0xb7: {  	[tilespmem:v0+s16+$0x570 ss:$0x1] =	vst.idx.msk $0xffff, v3  }
0xb8: {  	[tilespmem:v0+s16+$0x580 ss:$0x1] =	vst.idx.msk $0xffff, v4  }
0xb9: {  	[tilespmem:v0+s16+$0x590 ss:$0x1] =	vst.idx.msk $0xffff, v4  }
0xba: {  	[tilespmem:v0+s16+$0x5A0 ss:$0x1] =	vst.idx.msk $0xffff, v4  }
0xbb: {  	[tilespmem:v0+s16+$0x5B0 ss:$0x1] =	vst.idx.msk $0xffff, v4  }
0xbc: {  	[tilespmem:v0+s16+$0x5C0 ss:$0x1] =	vst.idx.msk $0xffff, v4  }
0xbd: {  	[tilespmem:v0+s16+$0x5D0 ss:$0x1] =	vst.idx.msk $0xffff, v4  }
0xbe: {  	[tilespmem:v0+s16+$0x5E0 ss:$0x1] =	vst.idx.msk $0xffff, v4  }
0xbf: {  	[tilespmem:v0+s16+$0x5F0 ss:$0x1] =	vst.idx.msk $0xffff, v4  }
0xc0: {  	[tilespmem:v0+s16+$0x600 ss:$0x1] =	vst.idx.msk $0xffff, v5  }
0xc1: {  	[tilespmem:v0+s16+$0x610 ss:$0x1] =	vst.idx.msk $0xffff, v5  }
0xc2: {  	[tilespmem:v0+s16+$0x620 ss:$0x1] =	vst.idx.msk $0xffff, v5  }
0xc3: {  	[tilespmem:v0+s16+$0x630 ss:$0x1] =	vst.idx.msk $0xffff, v5  }
0xc4: {  	[tilespmem:v0+s16+$0x640 ss:$0x1] =	vst.idx.msk $0xffff, v5  }
0xc5: {  	[tilespmem:v0+s16+$0x650 ss:$0x1] =	vst.idx.msk $0xffff, v5  }
0xc6: {  	[tilespmem:v0+s16+$0x660 ss:$0x1] =	vst.idx.msk $0xffff, v5  }
0xc7: {  	[tilespmem:v0+s16+$0x670 ss:$0x1] =	vst.idx.msk $0xffff, v5  }
0xc8: {  	[tilespmem:v0+s16+$0x680 ss:$0x1] =	vst.idx.msk $0xffff, v6  }
0xc9: {  	[tilespmem:v0+s16+$0x690 ss:$0x1] =	vst.idx.msk $0xffff, v6  }
0xca: {  	[tilespmem:v0+s16+$0x6A0 ss:$0x1] =	vst.idx.msk $0xffff, v6  }
0xcb: {  	[tilespmem:v0+s16+$0x6B0 ss:$0x1] =	vst.idx.msk $0xffff, v6  }
0xcc: {  	[tilespmem:v0+s16+$0x6C0 ss:$0x1] =	vst.idx.msk $0xffff, v6  }
0xcd: {  	[tilespmem:v0+s16+$0x6D0 ss:$0x1] =	vst.idx.msk $0xffff, v6  }
0xce: {  	[tilespmem:v0+s16+$0x6E0 ss:$0x1] =	vst.idx.msk $0xffff, v6  }
0xcf: {  	[tilespmem:v0+s16+$0x6F0 ss:$0x1] =	vst.idx.msk $0xffff, v6  }
0xd0: {  	[tilespmem:v0+s16+$0x700 ss:$0x1] =	vst.idx.msk $0xffff, v7  }
0xd1: {  	[tilespmem:v0+s16+$0x710 ss:$0x1] =	vst.idx.msk $0xffff, v7  }
0xd2: {  	[tilespmem:v0+s16+$0x720 ss:$0x1] =	vst.idx.msk $0xffff, v7  }
0xd3: {  	[tilespmem:v0+s16+$0x730 ss:$0x1] =	vst.idx.msk $0xffff, v7  }
0xd4: {  	[tilespmem:v0+s16+$0x740 ss:$0x1] =	vst.idx.msk $0xffff, v7  }
0xd5: {  	[tilespmem:v0+s16+$0x750 ss:$0x1] =	vst.idx.msk $0xffff, v7  }
0xd6: {  	[tilespmem:v0+s16+$0x760 ss:$0x1] =	vst.idx.msk $0xffff, v7  }
0xd7: {  	[tilespmem:v0+s16+$0x770 ss:$0x1] =	vst.idx.msk $0xffff, v7  }
0xd8: {  	[tilespmem:v0+s16+$0x780 ss:$0x1] =	vst.idx.msk $0xffff, v8  }
0xd9: {  	[tilespmem:v0+s16+$0x790 ss:$0x1] =	vst.idx.msk $0xffff, v8  }
0xda: {  	[tilespmem:v0+s16+$0x7A0 ss:$0x1] =	vst.idx.msk $0xffff, v8  }
0xdb: {  	[tilespmem:v0+s16+$0x7B0 ss:$0x1] =	vst.idx.msk $0xffff, v8  }
0xdc: {  	[tilespmem:v0+s16+$0x7C0 ss:$0x1] =	vst.idx.msk $0xffff, v8  }
0xdd: {  	[tilespmem:v0+s16+$0x7D0 ss:$0x1] =	vst.idx.msk $0xffff, v8  }
0xde: {  	[tilespmem:v0+s16+$0x7E0 ss:$0x1] =	vst.idx.msk $0xffff, v8  }
0xdf: {  	[tilespmem:v0+s16+$0x7F0 ss:$0x1] =	vst.idx.msk $0xffff, v8  }
0xe0: {  	[tilespmem:v0+s16+$0x30 ss:$0x1] =	vst.idx.msk $0xffff, v1  }
0xe1: {  	[tilespmem:v0+s16+$0x40 ss:$0x1] =	vst.idx.msk $0xffff, v1  }
0xe2: {  	[tilespmem:v0+s16+$0x50 ss:$0x1] =	vst.idx.msk $0xffff, v1  }
0xe3: {  	[tilespmem:v0+s16+$0x60 ss:$0x1] =	vst.idx.msk $0xffff, v1  }
0xe4: {  	[tilespmem:v0+s16+$0x70 ss:$0x1] =	vst.idx.msk $0xffff, v1  }
0xe5: {  	[tilespmem:v0+s16+$0x80 ss:$0x1] =	vst.idx.msk $0xffff, v2  }
0xe6: {  	[tilespmem:v0+s16+$0x90 ss:$0x1] =	vst.idx.msk $0xffff, v2  }
0xe7: {  	[tilespmem:v0+s16+$0xA0 ss:$0x1] =	vst.idx.msk $0xffff, v2  }
0xe8: {  	[tilespmem:v0+s16+$0xB0 ss:$0x1] =	vst.idx.msk $0xffff, v2  }
0xe9: {  	[tilespmem:v0+s16+$0xC0 ss:$0x1] =	vst.idx.msk $0xffff, v2  }
0xea: {  	[tilespmem:v0+s16+$0xD0 ss:$0x1] =	vst.idx.msk $0xffff, v2  }
0xeb: {  	[tilespmem:v0+s16+$0xE0 ss:$0x1] =	vst.idx.msk $0xffff, v2  }
0xec: {  	[tilespmem:v0+s16+$0xF0 ss:$0x1] =	vst.idx.msk $0xffff, v2  }
0xed: {  	[tilespmem:v0+s16+$0x100 ss:$0x1] =	vst.idx.msk $0xffff, v3  }
0xee: {  	[tilespmem:v0+s16+$0x110 ss:$0x1] =	vst.idx.msk $0xffff, v3  }
0xef: {  	[tilespmem:v0+s16+$0x120 ss:$0x1] =	vst.idx.msk $0xffff, v3  }
0xf0: {  	[tilespmem:v0+s16+$0x130 ss:$0x1] =	vst.idx.msk $0xffff, v3  }
0xf1: {  	[tilespmem:v0+s16+$0x140 ss:$0x1] =	vst.idx.msk $0xffff, v3  }
0xf2: {  	[tilespmem:v0+s16+$0x150 ss:$0x1] =	vst.idx.msk $0xffff, v3  }
0xf3: {  	[tilespmem:v0+s16+$0x160 ss:$0x1] =	vst.idx.msk $0xffff, v3  }
0xf4: {  	[tilespmem:v0+s16+$0x170 ss:$0x1] =	vst.idx.msk $0xffff, v3  }
0xf5: {  	[tilespmem:v0+s16+$0x180 ss:$0x1] =	vst.idx.msk $0xffff, v4  }
0xf6: {  	[tilespmem:v0+s16+$0x190 ss:$0x1] =	vst.idx.msk $0xffff, v4  }
0xf7: {  	[tilespmem:v0+s16+$0x1A0 ss:$0x1] =	vst.idx.msk $0xffff, v4  }
0xf8: {  	[tilespmem:v0+s16+$0x1B0 ss:$0x1] =	vst.idx.msk $0xffff, v4  }
0xf9: {  	[tilespmem:v0+s16+$0x1C0 ss:$0x1] =	vst.idx.msk $0xffff, v4  }
0xfa: {  	[tilespmem:v0+s16+$0x1D0 ss:$0x1] =	vst.idx.msk $0xffff, v4  }
0xfb: {  	[tilespmem:v0+s16+$0x1E0 ss:$0x1] =	vst.idx.msk $0xffff, v4  }
0xfc: {  	[tilespmem:v0+s16+$0x1F0 ss:$0x1] =	vst.idx.msk $0xffff, v4  }
0xfd: {  	[tilespmem:v0+s16+$0x200 ss:$0x1] =	vst.idx.msk $0xffff, v5  }
0xfe: {  	[tilespmem:v0+s16+$0x210 ss:$0x1] =	vst.idx.msk $0xffff, v5  }
0xff: {  	[tilespmem:v0+s16+$0x220 ss:$0x1] =	vst.idx.msk $0xffff, v5  }
0x100: {  	[tilespmem:v0+s16+$0x230 ss:$0x1] =	vst.idx.msk $0xffff, v5  }
0x101: {  	[tilespmem:v0+s16+$0x240 ss:$0x1] =	vst.idx.msk $0xffff, v5  }
0x102: {  	[tilespmem:v0+s16+$0x250 ss:$0x1] =	vst.idx.msk $0xffff, v5  }
0x103: {  	[tilespmem:v0+s16+$0x260 ss:$0x1] =	vst.idx.msk $0xffff, v5  }
0x104: {  	[tilespmem:v0+s16+$0x270 ss:$0x1] =	vst.idx.msk $0xffff, v5  }
0x105: {  	[tilespmem:v0+s16+$0x280 ss:$0x1] =	vst.idx.msk $0xffff, v6  }
0x106: {  	[tilespmem:v0+s16+$0x290 ss:$0x1] =	vst.idx.msk $0xffff, v6  }
0x107: {  	[tilespmem:v0+s16+$0x2A0 ss:$0x1] =	vst.idx.msk $0xffff, v6  }
0x108: {  	[tilespmem:v0+s16+$0x2B0 ss:$0x1] =	vst.idx.msk $0xffff, v6  }
0x109: {  	[tilespmem:v0+s16+$0x2C0 ss:$0x1] =	vst.idx.msk $0xffff, v6  }
0x10a: {  	[tilespmem:v0+s16+$0x2D0 ss:$0x1] =	vst.idx.msk $0xffff, v6  }
0x10b: {  	[tilespmem:v0+s16+$0x2E0 ss:$0x1] =	vst.idx.msk $0xffff, v6  }
0x10c: {  	[tilespmem:v0+s16+$0x2F0 ss:$0x1] =	vst.idx.msk $0xffff, v6  }
0x10d: {  	[tilespmem:v0+s16+$0x300 ss:$0x1] =	vst.idx.msk $0xffff, v7  }
0x10e: {  	[tilespmem:v0+s16+$0x310 ss:$0x1] =	vst.idx.msk $0xffff, v7  }
0x10f: {  	[tilespmem:v0+s16+$0x320 ss:$0x1] =	vst.idx.msk $0xffff, v7  }
0x110: {  	[tilespmem:v0+s16+$0x330 ss:$0x1] =	vst.idx.msk $0xffff, v7  }
0x111: {  	[tilespmem:v0+s16+$0x340 ss:$0x1] =	vst.idx.msk $0xffff, v7  }
0x112: {  	[tilespmem:v0+s16+$0x350 ss:$0x1] =	vst.idx.msk $0xffff, v7  }
0x113: {  	[tilespmem:v0+s16+$0x360 ss:$0x1] =	vst.idx.msk $0xffff, v7  }
0x114: {  	[tilespmem:v0+s16+$0x370 ss:$0x1] =	vst.idx.msk $0xffff, v7  }
0x115: {  	[tilespmem:v0+s16+$0x380 ss:$0x1] =	vst.idx.msk $0xffff, v8  }
0x116: {  	[tilespmem:v0+s16+$0x390 ss:$0x1] =	vst.idx.msk $0xffff, v8  }
.Ltmp0:
0x117: {  	[tilespmem:v0+s16+$0x3A0 ss:$0x1] =	vst.idx.msk $0xffff, v8;
	(pc) =	sbr.rel @p0 .LBB2_3-.Ltmp0, $4  }
0x118: {  	[tilespmem:v0+s16+$0x3B0 ss:$0x1] =	vst.idx.msk $0xffff, v8  }
0x119: {  	[tilespmem:v0+s16+$0x3C0 ss:$0x1] =	vst.idx.msk $0xffff, v8  }
0x11a: {  	[tilespmem:v0+s16+$0x3D0 ss:$0x1] =	vst.idx.msk $0xffff, v8  }
0x11b: {  	[tilespmem:v0+s16+$0x3E0 ss:$0x1] =	vst.idx.msk $0xffff, v8  }
0x11c: {  	s13 =	sadd.s32 $0x1, s13  }
0x11d: {  	p0 =	sne.s32 s13, $0x43  }
.Ltmp1:
0x11e: {  	_ = 	snop;
	(pc) =	sbr.rel @p0 .LBB2_2-.Ltmp1, $4  }
0x11f: {  	_ = 	snop  }
0x120: {  	s15 =	sshll.u32 s15, $0xC  }
0x121: {  	[tilespmem:v0+s16+$0x3F0 ss:$0x1] =	vst.idx.msk $0xffff, v8;
	s14 =	sadd.s32 $0x1, s14;
	s12 =	sadd.s32 $0x8000, s12;
	s15 =	sadd.s32 s1, s15  }
0x122: {  	[hbm4b:s15+s3] =	stream.linear.scatter [tilespmem:s17], [sflag:s14], $0x8000, $0x38;
	[tilespmem:$0x1C380] =	vst v63  }
0x123: {  	_ =	swait.ge [sflag:s8], $0x8000  }
0x124: {  	[sflag:s8] =	ssyncset.done $0x0  }
0x125: {  	s11 =	sadd.s32 $0x1, s11;
	[sflag:s8] =	ssyncadd.s32 $0xFFFF8000  }
0x126: {  	p0 =	sne.s32 s11, s6;
	_ =	swait.ge [sflag:s9], $0x8000  }
.Ltmp2:
0x127: {  	[sflag:s9] =	ssyncset.done $0x0;
	(pc) =	sbr.rel @p0 .LBB2_1-.Ltmp2, $4  }
0x128: {  	[sflag:s9] =	ssyncadd.s32 $0xFFFF8000  }
0x129: {  	_ =	swait.ge [sflag:s10], $0x8000  }
0x12a: {  	[sflag:s10] =	ssyncset.done $0x0  }
0x12b: {  	[sflag:s10] =	ssyncadd.s32 $0xFFFF8000  }
0x12c: {  	_ =	sfence.sel $0x180000  }
0x12d: {  	[bflag:$0x0] =	sbarrier.arrive $0xFFFF  }
0x12e: {  	p0 =	sne.s32 s2, $0x0;
	_ =	strace $0x90000047  }
0x12f: {  	s0 =	sadd.s32 @!p0 $0x100000, s0;
	[bflag:$0x2] =	sbarrier.arrive $0xFFFF  }
0x130: {  	[sflag:s0] =	ssyncadd.tile.s32 @!p0 $0x1;
	_ =	shalt  }
.Lfunc_end2:
_tile_overlayer_lowered:
.L_overlay_start_2:
0x131: {  	(tag) =	ssettag $0x2  }
0x132: {  	s0 =	rddreg [dreg:$0x0];
	s2 =	stileid.u32  }
0x133: {  	s1 =	rddreg [dreg:$0x1];
	p0 =	sne.s32 s2, $0x0  }
0x134: {  	s3 =	rddreg [dreg:$0x2];
	[bflag:$0x3] =	sbarrier.arrive $0xFFFF;
	s2 =	simm.s32 @!p0 $0x1C04  }
0x135: {  	[timem:s3], [sflag:s2] =	dma.local @!p0 [hbm:s0], s1  }
0x136: {  	s0 =	simm.s32 @!p0 $0x4  }
0x137: {  	_ =	swait.ge @!p0 [sflag:s0], s1  }
0x138: {  	s1 =	ssub.s32 @!p0 $0x0, s1;
	[sflag:s0] =	ssyncset.done @!p0 $0x0  }
0x139: {  	[sflag:s0] =	ssyncadd.s32 @!p0 s1  }
0x13a: {  	[bflag:$0x3] =	sbarrier.arrive $0xFFFF  }
0x13b: {  	_ =	shalt  }

</sc_bundles>
